<compile_context>
chip_gen: v7x
topology: tpu7x:2x2x1
jax: 0.10.2.dev20260603
libtpu: 0.0.44.dev20260713+nightly
codegen_flags: <defaults>
</compile_context>

<pallas_src>
import jax
import jax.numpy as jnp
from jax import lax
from jax.experimental import pallas as pl
from jax.experimental.pallas import tpu as pltpu
from jax.experimental.pallas import tpu_sc as plsc

B = 4
S = 4096
D = 128
NC = 2
NS = 16
NW = NC * NS
SW = S // NW
LANES = 16


def _emb_kernel(ids_hbm, tok_hbm, pos_hbm, out_hbm, idx_v, rows_v, pos_v,
                isem, fsem, psem, gsem, ssem):
    wid = lax.axis_index("s") * NC + lax.axis_index("c")
    base = wid * SW

    icp = pltpu.async_copy(ids_hbm.at[:, pl.ds(base, SW)], idx_v, isem)
    f0p = pltpu.async_copy(pos_hbm.at[pl.ds(base, SW)], rows_v.at[0], fsem)
    pcp = pltpu.async_copy(pos_hbm.at[pl.ds(base, SW)], pos_v, psem)

    gcps = []
    icp.wait()
    f0p.wait()
    gcps.append(pltpu.async_copy(tok_hbm.at[idx_v.at[0]],
                                 rows_v.at[0], gsem.at[0], add=True))
    pcp.wait()
    for b in range(1, B):
        def copy_body(j, carry, b=b):
            for d in range(D // LANES):
                sl = pl.ds(d * LANES, LANES)
                rows_v[b, j, sl] = pos_v[j, sl]
            return carry

        lax.fori_loop(0, SW, copy_body, 0)
        gcps.append(pltpu.async_copy(tok_hbm.at[idx_v.at[b]],
                                     rows_v.at[b], gsem.at[b], add=True))

    for b in range(B):
        gcps[b].wait()

    pltpu.async_copy(rows_v, out_hbm.at[:, pl.ds(base, SW), :], ssem).wait()


@jax.jit
def _emb(input_ids, token_table, pos_table):
    mesh = plsc.VectorSubcoreMesh(core_axis_name="c", subcore_axis_name="s")
    return pl.kernel(
        _emb_kernel,
        mesh=mesh,
        out_type=jax.ShapeDtypeStruct((B, S, D), jnp.float32),
        scratch_types=[
            pltpu.VMEM((B, SW), jnp.int32),
            pltpu.VMEM((B, SW, D), jnp.float32),
            pltpu.VMEM((SW, D), jnp.float32),
            pltpu.SemaphoreType.DMA,
            pltpu.SemaphoreType.DMA,
            pltpu.SemaphoreType.DMA,
            pltpu.SemaphoreType.DMA((B,)),
            pltpu.SemaphoreType.DMA,
        ],
    )(input_ids, token_table, pos_table)


def kernel(input_ids, token_table, pos_table):
    return _emb(input_ids.astype(jnp.int32), token_table, pos_table)

# --- scband reference (transcript-rebuilt; emitter-appended) ---
"""Pipeline reference for scband-embedding-layer-28939489640580 (READ-ONLY COPY).

The authoritative reference and input builder live on the scoring server;
editing this copy changes nothing except your own understanding.
"""

import jax, jax.numpy as jnp
import numpy as np

VOCAB = 1000000
EMBED_DIM = 128
MAX_POS = 4096
BATCH = 4
SEQ_LEN = 4096

def setup_inputs(seed: int = 0) -> dict:
    key = jax.random.key(seed)
    k1, k2, k3 = jax.random.split(key, 3)
    input_ids = jax.random.randint(k1, (BATCH, SEQ_LEN), 0, VOCAB, dtype=jnp.int64 if jax.config.jax_enable_x64 else jnp.int32)
    token_table = jax.random.normal(k2, (VOCAB, EMBED_DIM), dtype=jnp.float32) * 0.02
    pos_table = jax.random.normal(k3, (MAX_POS, EMBED_DIM), dtype=jnp.float32) * 0.02
    return {"input_ids": input_ids, "token_table": token_table, "pos_table": pos_table}

def reference(input_ids, token_table, pos_table):
    seq_len = input_ids.shape[1]
    tok_embeds = jnp.take(token_table, input_ids, axis=0)  # [B, S, D] gather
    pos_ids = jnp.arange(0, seq_len, dtype=jnp.int32)
    pos_embeds = jnp.take(pos_table, pos_ids, axis=0)[None, :, :]  # [1, S, D]
    return tok_embeds + pos_embeds

if __name__ == "__main__":
    import jax
    _d = setup_inputs()
    print(jax.jit(kernel)(*tuple(_d.values())))

</pallas_src>

<mosaic_0001>
#map = affine_map<(d0, d1) -> (0, 0)>
#map1 = affine_map<(d0, d1) -> (0, 0, 0)>
module attributes {stable_mosaic.version = 14 : i64} {
  func.func @_emb_kernel(%arg0: i32, %arg1: i32, %arg2: memref<4x4096xi32, #tpu.memory_space<hbm>>, %arg3: memref<1000000x128xf32, #tpu.memory_space<hbm>>, %arg4: memref<4096x128xf32, #tpu.memory_space<hbm>>, %arg5: memref<4x4096x128xf32, #tpu.memory_space<hbm>>, %arg6: memref<4x128xi32, #tpu.memory_space<vmem>>, %arg7: memref<4x128x128xf32, #tpu.memory_space<vmem>>, %arg8: memref<128x128xf32, #tpu.memory_space<vmem>>, %arg9: memref<!tpu.dma_semaphore, #tpu.memory_space<semaphore_mem>>, %arg10: memref<!tpu.dma_semaphore, #tpu.memory_space<semaphore_mem>>, %arg11: memref<!tpu.dma_semaphore, #tpu.memory_space<semaphore_mem>>, %arg12: memref<4x!tpu.dma_semaphore, #tpu.memory_space<semaphore_mem>>, %arg13: memref<!tpu.dma_semaphore, #tpu.memory_space<semaphore_mem>>) attributes {dimension_semantics = [#tpu.dimension_semantics<core_parallel>, #tpu.dimension_semantics<subcore_parallel>], iteration_bounds = array<i64: 2, 16>, scalar_prefetch = 0 : i64, scratch_operands = 8 : i64, tpu.core_type = #tpu.core_type<sc_vector_subcore>, window_params = [{transform_indices = #map}, {transform_indices = #map}, {transform_indices = #map}, {transform_indices = #map1}]} {
    %mul3A = arith.constant 2 : i32
    %mul3A_0 = arith.muli %arg1, %mul3A : i32
    %add3A = arith.addi %mul3A_0, %arg0 : i32
    %mul3A_1 = arith.constant 128 : i32
    %mul3A_2 = arith.muli %add3A, %mul3A_1 : i32
    %dma_start3A = arith.constant 0 : i32
    %dma_start3A_3 = tpu.memref_slice %arg2[%dma_start3A, %mul3A_2] : memref<4x4096xi32, #tpu.memory_space<hbm>> -> memref<4x128xi32, #tpu.memory_space<hbm>>
    %dma_start3A_4 = arith.constant 0 : i32
    %dma_start3A_5 = tpu.memref_slice %arg2[%dma_start3A_4, %mul3A_2] : memref<4x4096xi32, #tpu.memory_space<hbm>> -> memref<4x128xi32, #tpu.memory_space<hbm>>
    tpu.enqueue_dma source(%dma_start3A_5 : memref<4x128xi32, #tpu.memory_space<hbm>>) target(%arg6 : memref<4x128xi32, #tpu.memory_space<vmem>>) target_semaphore(%arg9 : memref<!tpu.dma_semaphore, #tpu.memory_space<semaphore_mem>>)
    %dma_start3A_6 = arith.constant 0 : i32
    %dma_start3A_7 = arith.constant 0 : i32
    %dma_start3A_8 = arith.constant 0 : i32
    %dma_start3A_9 = tpu.memref_slice %arg7[%dma_start3A_6, %dma_start3A_7, %dma_start3A_8] : memref<4x128x128xf32, #tpu.memory_space<vmem>> -> memref<1x128x128xf32, #tpu.memory_space<vmem>>
    %dma_start3A_10 = tpu.memref_squeeze %dma_start3A_9 : memref<1x128x128xf32, #tpu.memory_space<vmem>> -> memref<128x128xf32, #tpu.memory_space<vmem>>
    %dma_start3A_11 = arith.constant 0 : i32
    %dma_start3A_12 = tpu.memref_slice %arg4[%mul3A_2, %dma_start3A_11] : memref<4096x128xf32, #tpu.memory_space<hbm>> -> memref<128x128xf32, #tpu.memory_space<hbm>>
    %dma_start3A_13 = arith.constant 0 : i32
    %dma_start3A_14 = arith.constant 0 : i32
    %dma_start3A_15 = tpu.memref_slice %arg7[%dma_start3A_6, %dma_start3A_13, %dma_start3A_14] : memref<4x128x128xf32, #tpu.memory_space<vmem>> -> memref<1x128x128xf32, #tpu.memory_space<vmem>>
    %dma_start3A_16 = tpu.memref_squeeze %dma_start3A_15 : memref<1x128x128xf32, #tpu.memory_space<vmem>> -> memref<128x128xf32, #tpu.memory_space<vmem>>
    %dma_start3A_17 = arith.constant 0 : i32
    %dma_start3A_18 = tpu.memref_slice %arg4[%mul3A_2, %dma_start3A_17] : memref<4096x128xf32, #tpu.memory_space<hbm>> -> memref<128x128xf32, #tpu.memory_space<hbm>>
    tpu.enqueue_dma source(%dma_start3A_18 : memref<128x128xf32, #tpu.memory_space<hbm>>) target(%dma_start3A_16 : memref<128x128xf32, #tpu.memory_space<vmem>>) target_semaphore(%arg10 : memref<!tpu.dma_semaphore, #tpu.memory_space<semaphore_mem>>)
    %dma_start3A_19 = arith.constant 0 : i32
    %dma_start3A_20 = tpu.memref_slice %arg4[%mul3A_2, %dma_start3A_19] : memref<4096x128xf32, #tpu.memory_space<hbm>> -> memref<128x128xf32, #tpu.memory_space<hbm>>
    %dma_start3A_21 = arith.constant 0 : i32
    %dma_start3A_22 = tpu.memref_slice %arg4[%mul3A_2, %dma_start3A_21] : memref<4096x128xf32, #tpu.memory_space<hbm>> -> memref<128x128xf32, #tpu.memory_space<hbm>>
    tpu.enqueue_dma source(%dma_start3A_22 : memref<128x128xf32, #tpu.memory_space<hbm>>) target(%arg8 : memref<128x128xf32, #tpu.memory_space<vmem>>) target_semaphore(%arg11 : memref<!tpu.dma_semaphore, #tpu.memory_space<semaphore_mem>>)
    %dma_wait3A = arith.constant 0 : i32
    %dma_wait3A_23 = tpu.memref_slice %arg2[%dma_wait3A, %mul3A_2] : memref<4x4096xi32, #tpu.memory_space<hbm>> -> memref<4x128xi32, #tpu.memory_space<hbm>>
    %dma_wait3A_24 = arith.constant 0 : i32
    %dma_wait3A_25 = tpu.memref_slice %arg2[%dma_wait3A_24, %mul3A_2] : memref<4x4096xi32, #tpu.memory_space<hbm>> -> memref<4x128xi32, #tpu.memory_space<hbm>>
    tpu.wait_dma2 semaphore(%arg9 : memref<!tpu.dma_semaphore, #tpu.memory_space<semaphore_mem>>) src(%dma_wait3A_25 : memref<4x128xi32, #tpu.memory_space<hbm>>) dst(%arg6 : memref<4x128xi32, #tpu.memory_space<vmem>>)
    %dma_wait3A_26 = arith.constant 0 : i32
    %dma_wait3A_27 = arith.constant 0 : i32
    %dma_wait3A_28 = arith.constant 0 : i32
    %dma_wait3A_29 = tpu.memref_slice %arg7[%dma_wait3A_26, %dma_wait3A_27, %dma_wait3A_28] : memref<4x128x128xf32, #tpu.memory_space<vmem>> -> memref<1x128x128xf32, #tpu.memory_space<vmem>>
    %dma_wait3A_30 = tpu.memref_squeeze %dma_wait3A_29 : memref<1x128x128xf32, #tpu.memory_space<vmem>> -> memref<128x128xf32, #tpu.memory_space<vmem>>
    %dma_wait3A_31 = arith.constant 0 : i32
    %dma_wait3A_32 = tpu.memref_slice %arg4[%mul3A_2, %dma_wait3A_31] : memref<4096x128xf32, #tpu.memory_space<hbm>> -> memref<128x128xf32, #tpu.memory_space<hbm>>
    %dma_wait3A_33 = arith.constant 0 : i32
    %dma_wait3A_34 = arith.constant 0 : i32
    %dma_wait3A_35 = tpu.memref_slice %arg7[%dma_wait3A_26, %dma_wait3A_33, %dma_wait3A_34] : memref<4x128x128xf32, #tpu.memory_space<vmem>> -> memref<1x128x128xf32, #tpu.memory_space<vmem>>
    %dma_wait3A_36 = tpu.memref_squeeze %dma_wait3A_35 : memref<1x128x128xf32, #tpu.memory_space<vmem>> -> memref<128x128xf32, #tpu.memory_space<vmem>>
    %dma_wait3A_37 = arith.constant 0 : i32
    %dma_wait3A_38 = tpu.memref_slice %arg4[%mul3A_2, %dma_wait3A_37] : memref<4096x128xf32, #tpu.memory_space<hbm>> -> memref<128x128xf32, #tpu.memory_space<hbm>>
    tpu.wait_dma2 semaphore(%arg10 : memref<!tpu.dma_semaphore, #tpu.memory_space<semaphore_mem>>) src(%dma_wait3A_38 : memref<128x128xf32, #tpu.memory_space<hbm>>) dst(%dma_wait3A_36 : memref<128x128xf32, #tpu.memory_space<vmem>>)
    %dma_start3A_39 = arith.constant 0 : i32
    %dma_start3A_40 = arith.constant 0 : i32
    %dma_start3A_41 = arith.constant 0 : i32
    %dma_start3A_42 = arith.constant 0 : i32
    %dma_start3A_43 = arith.constant 0 : i32
    %dma_start3A_44 = tpu.memref_slice %arg7[%dma_start3A_40, %dma_start3A_42, %dma_start3A_43] : memref<4x128x128xf32, #tpu.memory_space<vmem>> -> memref<1x128x128xf32, #tpu.memory_space<vmem>>
    %dma_start3A_45 = tpu.memref_squeeze %dma_start3A_44 : memref<1x128x128xf32, #tpu.memory_space<vmem>> -> memref<128x128xf32, #tpu.memory_space<vmem>>
    %dma_start3A_46 = arith.constant 0 : i32
    %dma_start3A_47 = tpu.memref_slice %arg6[%dma_start3A_39, %dma_start3A_46] : memref<4x128xi32, #tpu.memory_space<vmem>> -> memref<1x128xi32, #tpu.memory_space<vmem>>
    %dma_start3A_48 = tpu.memref_squeeze %dma_start3A_47 : memref<1x128xi32, #tpu.memory_space<vmem>> -> memref<128xi32, #tpu.memory_space<vmem>>
    %dma_start3A_49 = arith.constant 0 : i32
    %dma_start3A_50 = arith.constant 0 : i32
    %dma_start3A_51 = tpu.memref_slice %arg3[%dma_start3A_49, %dma_start3A_50] : memref<1000000x128xf32, #tpu.memory_space<hbm>> -> memref<1000000x128xf32, #tpu.memory_space<hbm>>
    %dma_start3A_52 = tpu.memref_slice %arg12[%dma_start3A_41] : memref<4x!tpu.dma_semaphore, #tpu.memory_space<semaphore_mem>> -> memref<1x!tpu.dma_semaphore, #tpu.memory_space<semaphore_mem>>
    %dma_start3A_53 = tpu.memref_squeeze %dma_start3A_52 : memref<1x!tpu.dma_semaphore, #tpu.memory_space<semaphore_mem>> -> memref<!tpu.dma_semaphore, #tpu.memory_space<semaphore_mem>>
    tpu.enqueue_indirect_dma source(%dma_start3A_51 : memref<1000000x128xf32, #tpu.memory_space<hbm>>) target(%dma_start3A_45 : memref<128x128xf32, #tpu.memory_space<vmem>>) offsets(%dma_start3A_48 : memref<128xi32, #tpu.memory_space<vmem>>) semaphore(%dma_start3A_53 : memref<!tpu.dma_semaphore, #tpu.memory_space<semaphore_mem>>) {add = true}
    %dma_wait3A_54 = arith.constant 0 : i32
    %dma_wait3A_55 = tpu.memref_slice %arg4[%mul3A_2, %dma_wait3A_54] : memref<4096x128xf32, #tpu.memory_space<hbm>> -> memref<128x128xf32, #tpu.memory_space<hbm>>
    %dma_wait3A_56 = arith.constant 0 : i32
    %dma_wait3A_57 = tpu.memref_slice %arg4[%mul3A_2, %dma_wait3A_56] : memref<4096x128xf32, #tpu.memory_space<hbm>> -> memref<128x128xf32, #tpu.memory_space<hbm>>
    tpu.wait_dma2 semaphore(%arg11 : memref<!tpu.dma_semaphore, #tpu.memory_space<semaphore_mem>>) src(%dma_wait3A_57 : memref<128x128xf32, #tpu.memory_space<hbm>>) dst(%arg8 : memref<128x128xf32, #tpu.memory_space<vmem>>)
    %scan3A = arith.constant 0 : i32
    %scan3A_58 = arith.constant 0 : i32
    %scan3A_59 = arith.constant 128 : i32
    %scan3A_60 = arith.addi %scan3A_58, %scan3A_59 : i32
    %scan3A_61 = arith.constant 1 : i32
    scf.for %scan3A_192 = %scan3A_58 to %scan3A_60 step %scan3A_61  : i32 {
      %get3A = arith.index_cast %scan3A_192 : i32 to index
      %get3A_193 = arith.constant 0 : index
      %get3A_194 = tpu.vector_load %arg8[%get3A, %get3A_193] {strides = array<i32>} : memref<128x128xf32, #tpu.memory_space<vmem>>, vector<1x16xf32>,
      %get3A_195 = vector.shape_cast %get3A_194 : vector<1x16xf32> to vector<16xf32>
      %swap3A = arith.constant 1 : i32
      %swap3A_196 = arith.index_cast %swap3A : i32 to index
      %swap3A_197 = arith.index_cast %scan3A_192 : i32 to index
      %swap3A_198 = arith.constant 0 : index
      %swap3A_199 = tpu.vector_load %arg7[%swap3A_196, %swap3A_197, %swap3A_198] {strides = array<i32>} : memref<4x128x128xf32, #tpu.memory_space<vmem>>, vector<1x1x16xf32>,
      %swap3A_200 = vector.shape_cast %swap3A_199 : vector<1x1x16xf32> to vector<16xf32>
      %swap3A_201 = vector.shape_cast %get3A_195 : vector<16xf32> to vector<1x1x16xf32>
      tpu.vector_store %arg7[%swap3A_196, %swap3A_197, %swap3A_198], %swap3A_201 {strides = array<i32>} : memref<4x128x128xf32, #tpu.memory_space<vmem>>, vector<1x1x16xf32>,
      %get3A_202 = arith.index_cast %scan3A_192 : i32 to index
      %get3A_203 = arith.constant 16 : index
      %get3A_204 = tpu.vector_load %arg8[%get3A_202, %get3A_203] {strides = array<i32>} : memref<128x128xf32, #tpu.memory_space<vmem>>, vector<1x16xf32>,
      %get3A_205 = vector.shape_cast %get3A_204 : vector<1x16xf32> to vector<16xf32>
      %swap3A_206 = arith.constant 1 : i32
      %swap3A_207 = arith.index_cast %swap3A_206 : i32 to index
      %swap3A_208 = arith.index_cast %scan3A_192 : i32 to index
      %swap3A_209 = arith.constant 16 : index
      %swap3A_210 = tpu.vector_load %arg7[%swap3A_207, %swap3A_208, %swap3A_209] {strides = array<i32>} : memref<4x128x128xf32, #tpu.memory_space<vmem>>, vector<1x1x16xf32>,
      %swap3A_211 = vector.shape_cast %swap3A_210 : vector<1x1x16xf32> to vector<16xf32>
      %swap3A_212 = vector.shape_cast %get3A_205 : vector<16xf32> to vector<1x1x16xf32>
      tpu.vector_store %arg7[%swap3A_207, %swap3A_208, %swap3A_209], %swap3A_212 {strides = array<i32>} : memref<4x128x128xf32, #tpu.memory_space<vmem>>, vector<1x1x16xf32>,
      %get3A_213 = arith.index_cast %scan3A_192 : i32 to index
      %get3A_214 = arith.constant 32 : index
      %get3A_215 = tpu.vector_load %arg8[%get3A_213, %get3A_214] {strides = array<i32>} : memref<128x128xf32, #tpu.memory_space<vmem>>, vector<1x16xf32>,
      %get3A_216 = vector.shape_cast %get3A_215 : vector<1x16xf32> to vector<16xf32>
      %swap3A_217 = arith.constant 1 : i32
      %swap3A_218 = arith.index_cast %swap3A_217 : i32 to index
      %swap3A_219 = arith.index_cast %scan3A_192 : i32 to index
      %swap3A_220 = arith.constant 32 : index
      %swap3A_221 = tpu.vector_load %arg7[%swap3A_218, %swap3A_219, %swap3A_220] {strides = array<i32>} : memref<4x128x128xf32, #tpu.memory_space<vmem>>, vector<1x1x16xf32>,
      %swap3A_222 = vector.shape_cast %swap3A_221 : vector<1x1x16xf32> to vector<16xf32>
      %swap3A_223 = vector.shape_cast %get3A_216 : vector<16xf32> to vector<1x1x16xf32>
      tpu.vector_store %arg7[%swap3A_218, %swap3A_219, %swap3A_220], %swap3A_223 {strides = array<i32>} : memref<4x128x128xf32, #tpu.memory_space<vmem>>, vector<1x1x16xf32>,
      %get3A_224 = arith.index_cast %scan3A_192 : i32 to index
      %get3A_225 = arith.constant 48 : index
      %get3A_226 = tpu.vector_load %arg8[%get3A_224, %get3A_225] {strides = array<i32>} : memref<128x128xf32, #tpu.memory_space<vmem>>, vector<1x16xf32>,
      %get3A_227 = vector.shape_cast %get3A_226 : vector<1x16xf32> to vector<16xf32>
      %swap3A_228 = arith.constant 1 : i32
      %swap3A_229 = arith.index_cast %swap3A_228 : i32 to index
      %swap3A_230 = arith.index_cast %scan3A_192 : i32 to index
      %swap3A_231 = arith.constant 48 : index
      %swap3A_232 = tpu.vector_load %arg7[%swap3A_229, %swap3A_230, %swap3A_231] {strides = array<i32>} : memref<4x128x128xf32, #tpu.memory_space<vmem>>, vector<1x1x16xf32>,
      %swap3A_233 = vector.shape_cast %swap3A_232 : vector<1x1x16xf32> to vector<16xf32>
      %swap3A_234 = vector.shape_cast %get3A_227 : vector<16xf32> to vector<1x1x16xf32>
      tpu.vector_store %arg7[%swap3A_229, %swap3A_230, %swap3A_231], %swap3A_234 {strides = array<i32>} : memref<4x128x128xf32, #tpu.memory_space<vmem>>, vector<1x1x16xf32>,
      %get3A_235 = arith.index_cast %scan3A_192 : i32 to index
      %get3A_236 = arith.constant 64 : index
      %get3A_237 = tpu.vector_load %arg8[%get3A_235, %get3A_236] {strides = array<i32>} : memref<128x128xf32, #tpu.memory_space<vmem>>, vector<1x16xf32>,
      %get3A_238 = vector.shape_cast %get3A_237 : vector<1x16xf32> to vector<16xf32>
      %swap3A_239 = arith.constant 1 : i32
      %swap3A_240 = arith.index_cast %swap3A_239 : i32 to index
      %swap3A_241 = arith.index_cast %scan3A_192 : i32 to index
      %swap3A_242 = arith.constant 64 : index
      %swap3A_243 = tpu.vector_load %arg7[%swap3A_240, %swap3A_241, %swap3A_242] {strides = array<i32>} : memref<4x128x128xf32, #tpu.memory_space<vmem>>, vector<1x1x16xf32>,
      %swap3A_244 = vector.shape_cast %swap3A_243 : vector<1x1x16xf32> to vector<16xf32>
      %swap3A_245 = vector.shape_cast %get3A_238 : vector<16xf32> to vector<1x1x16xf32>
      tpu.vector_store %arg7[%swap3A_240, %swap3A_241, %swap3A_242], %swap3A_245 {strides = array<i32>} : memref<4x128x128xf32, #tpu.memory_space<vmem>>, vector<1x1x16xf32>,
      %get3A_246 = arith.index_cast %scan3A_192 : i32 to index
      %get3A_247 = arith.constant 80 : index
      %get3A_248 = tpu.vector_load %arg8[%get3A_246, %get3A_247] {strides = array<i32>} : memref<128x128xf32, #tpu.memory_space<vmem>>, vector<1x16xf32>,
      %get3A_249 = vector.shape_cast %get3A_248 : vector<1x16xf32> to vector<16xf32>
      %swap3A_250 = arith.constant 1 : i32
      %swap3A_251 = arith.index_cast %swap3A_250 : i32 to index
      %swap3A_252 = arith.index_cast %scan3A_192 : i32 to index
      %swap3A_253 = arith.constant 80 : index
      %swap3A_254 = tpu.vector_load %arg7[%swap3A_251, %swap3A_252, %swap3A_253] {strides = array<i32>} : memref<4x128x128xf32, #tpu.memory_space<vmem>>, vector<1x1x16xf32>,
      %swap3A_255 = vector.shape_cast %swap3A_254 : vector<1x1x16xf32> to vector<16xf32>
      %swap3A_256 = vector.shape_cast %get3A_249 : vector<16xf32> to vector<1x1x16xf32>
      tpu.vector_store %arg7[%swap3A_251, %swap3A_252, %swap3A_253], %swap3A_256 {strides = array<i32>} : memref<4x128x128xf32, #tpu.memory_space<vmem>>, vector<1x1x16xf32>,
      %get3A_257 = arith.index_cast %scan3A_192 : i32 to index
      %get3A_258 = arith.constant 96 : index
      %get3A_259 = tpu.vector_load %arg8[%get3A_257, %get3A_258] {strides = array<i32>} : memref<128x128xf32, #tpu.memory_space<vmem>>, vector<1x16xf32>,
      %get3A_260 = vector.shape_cast %get3A_259 : vector<1x16xf32> to vector<16xf32>
      %swap3A_261 = arith.constant 1 : i32
      %swap3A_262 = arith.index_cast %swap3A_261 : i32 to index
      %swap3A_263 = arith.index_cast %scan3A_192 : i32 to index
      %swap3A_264 = arith.constant 96 : index
      %swap3A_265 = tpu.vector_load %arg7[%swap3A_262, %swap3A_263, %swap3A_264] {strides = array<i32>} : memref<4x128x128xf32, #tpu.memory_space<vmem>>, vector<1x1x16xf32>,
      %swap3A_266 = vector.shape_cast %swap3A_265 : vector<1x1x16xf32> to vector<16xf32>
      %swap3A_267 = vector.shape_cast %get3A_260 : vector<16xf32> to vector<1x1x16xf32>
      tpu.vector_store %arg7[%swap3A_262, %swap3A_263, %swap3A_264], %swap3A_267 {strides = array<i32>} : memref<4x128x128xf32, #tpu.memory_space<vmem>>, vector<1x1x16xf32>,
      %get3A_268 = arith.index_cast %scan3A_192 : i32 to index
      %get3A_269 = arith.constant 112 : index
      %get3A_270 = tpu.vector_load %arg8[%get3A_268, %get3A_269] {strides = array<i32>} : memref<128x128xf32, #tpu.memory_space<vmem>>, vector<1x16xf32>,
      %get3A_271 = vector.shape_cast %get3A_270 : vector<1x16xf32> to vector<16xf32>
      %swap3A_272 = arith.constant 1 : i32
      %swap3A_273 = arith.index_cast %swap3A_272 : i32 to index
      %swap3A_274 = arith.index_cast %scan3A_192 : i32 to index
      %swap3A_275 = arith.constant 112 : index
      %swap3A_276 = tpu.vector_load %arg7[%swap3A_273, %swap3A_274, %swap3A_275] {strides = array<i32>} : memref<4x128x128xf32, #tpu.memory_space<vmem>>, vector<1x1x16xf32>,
      %swap3A_277 = vector.shape_cast %swap3A_276 : vector<1x1x16xf32> to vector<16xf32>
      %swap3A_278 = vector.shape_cast %get3A_271 : vector<16xf32> to vector<1x1x16xf32>
      tpu.vector_store %arg7[%swap3A_273, %swap3A_274, %swap3A_275], %swap3A_278 {strides = array<i32>} : memref<4x128x128xf32, #tpu.memory_space<vmem>>, vector<1x1x16xf32>,
    }
    %scan3A_62 = arith.constant 128 : i32
    %dma_start3A_63 = arith.constant 1 : i32
    %dma_start3A_64 = arith.constant 1 : i32
    %dma_start3A_65 = arith.constant 1 : i32
    %dma_start3A_66 = arith.constant 0 : i32
    %dma_start3A_67 = arith.constant 0 : i32
    %dma_start3A_68 = tpu.memref_slice %arg7[%dma_start3A_64, %dma_start3A_66, %dma_start3A_67] : memref<4x128x128xf32, #tpu.memory_space<vmem>> -> memref<1x128x128xf32, #tpu.memory_space<vmem>>
    %dma_start3A_69 = tpu.memref_squeeze %dma_start3A_68 : memref<1x128x128xf32, #tpu.memory_space<vmem>> -> memref<128x128xf32, #tpu.memory_space<vmem>>
    %dma_start3A_70 = arith.constant 0 : i32
    %dma_start3A_71 = tpu.memref_slice %arg6[%dma_start3A_63, %dma_start3A_70] : memref<4x128xi32, #tpu.memory_space<vmem>> -> memref<1x128xi32, #tpu.memory_space<vmem>>
    %dma_start3A_72 = tpu.memref_squeeze %dma_start3A_71 : memref<1x128xi32, #tpu.memory_space<vmem>> -> memref<128xi32, #tpu.memory_space<vmem>>
    %dma_start3A_73 = arith.constant 0 : i32
    %dma_start3A_74 = arith.constant 0 : i32
    %dma_start3A_75 = tpu.memref_slice %arg3[%dma_start3A_73, %dma_start3A_74] : memref<1000000x128xf32, #tpu.memory_space<hbm>> -> memref<1000000x128xf32, #tpu.memory_space<hbm>>
    %dma_start3A_76 = tpu.memref_slice %arg12[%dma_start3A_65] : memref<4x!tpu.dma_semaphore, #tpu.memory_space<semaphore_mem>> -> memref<1x!tpu.dma_semaphore, #tpu.memory_space<semaphore_mem>>
    %dma_start3A_77 = tpu.memref_squeeze %dma_start3A_76 : memref<1x!tpu.dma_semaphore, #tpu.memory_space<semaphore_mem>> -> memref<!tpu.dma_semaphore, #tpu.memory_space<semaphore_mem>>
    tpu.enqueue_indirect_dma source(%dma_start3A_75 : memref<1000000x128xf32, #tpu.memory_space<hbm>>) target(%dma_start3A_69 : memref<128x128xf32, #tpu.memory_space<vmem>>) offsets(%dma_start3A_72 : memref<128xi32, #tpu.memory_space<vmem>>) semaphore(%dma_start3A_77 : memref<!tpu.dma_semaphore, #tpu.memory_space<semaphore_mem>>) {add = true}
    %scan3A_78 = arith.constant 0 : i32
    %scan3A_79 = arith.constant 0 : i32
    %scan3A_80 = arith.constant 128 : i32
    %scan3A_81 = arith.addi %scan3A_79, %scan3A_80 : i32
    %scan3A_82 = arith.constant 1 : i32
    scf.for %scan3A_192 = %scan3A_79 to %scan3A_81 step %scan3A_82  : i32 {
      %get3A = arith.index_cast %scan3A_192 : i32 to index
      %get3A_193 = arith.constant 0 : index
      %get3A_194 = tpu.vector_load %arg8[%get3A, %get3A_193] {strides = array<i32>} : memref<128x128xf32, #tpu.memory_space<vmem>>, vector<1x16xf32>,
      %get3A_195 = vector.shape_cast %get3A_194 : vector<1x16xf32> to vector<16xf32>
      %swap3A = arith.constant 2 : i32
      %swap3A_196 = arith.index_cast %swap3A : i32 to index
      %swap3A_197 = arith.index_cast %scan3A_192 : i32 to index
      %swap3A_198 = arith.constant 0 : index
      %swap3A_199 = tpu.vector_load %arg7[%swap3A_196, %swap3A_197, %swap3A_198] {strides = array<i32>} : memref<4x128x128xf32, #tpu.memory_space<vmem>>, vector<1x1x16xf32>,
      %swap3A_200 = vector.shape_cast %swap3A_199 : vector<1x1x16xf32> to vector<16xf32>
      %swap3A_201 = vector.shape_cast %get3A_195 : vector<16xf32> to vector<1x1x16xf32>
      tpu.vector_store %arg7[%swap3A_196, %swap3A_197, %swap3A_198], %swap3A_201 {strides = array<i32>} : memref<4x128x128xf32, #tpu.memory_space<vmem>>, vector<1x1x16xf32>,
      %get3A_202 = arith.index_cast %scan3A_192 : i32 to index
      %get3A_203 = arith.constant 16 : index
      %get3A_204 = tpu.vector_load %arg8[%get3A_202, %get3A_203] {strides = array<i32>} : memref<128x128xf32, #tpu.memory_space<vmem>>, vector<1x16xf32>,
      %get3A_205 = vector.shape_cast %get3A_204 : vector<1x16xf32> to vector<16xf32>
      %swap3A_206 = arith.constant 2 : i32
      %swap3A_207 = arith.index_cast %swap3A_206 : i32 to index
      %swap3A_208 = arith.index_cast %scan3A_192 : i32 to index
      %swap3A_209 = arith.constant 16 : index
      %swap3A_210 = tpu.vector_load %arg7[%swap3A_207, %swap3A_208, %swap3A_209] {strides = array<i32>} : memref<4x128x128xf32, #tpu.memory_space<vmem>>, vector<1x1x16xf32>,
      %swap3A_211 = vector.shape_cast %swap3A_210 : vector<1x1x16xf32> to vector<16xf32>
      %swap3A_212 = vector.shape_cast %get3A_205 : vector<16xf32> to vector<1x1x16xf32>
      tpu.vector_store %arg7[%swap3A_207, %swap3A_208, %swap3A_209], %swap3A_212 {strides = array<i32>} : memref<4x128x128xf32, #tpu.memory_space<vmem>>, vector<1x1x16xf32>,
      %get3A_213 = arith.index_cast %scan3A_192 : i32 to index
      %get3A_214 = arith.constant 32 : index
      %get3A_215 = tpu.vector_load %arg8[%get3A_213, %get3A_214] {strides = array<i32>} : memref<128x128xf32, #tpu.memory_space<vmem>>, vector<1x16xf32>,
      %get3A_216 = vector.shape_cast %get3A_215 : vector<1x16xf32> to vector<16xf32>
      %swap3A_217 = arith.constant 2 : i32
      %swap3A_218 = arith.index_cast %swap3A_217 : i32 to index
      %swap3A_219 = arith.index_cast %scan3A_192 : i32 to index
      %swap3A_220 = arith.constant 32 : index
      %swap3A_221 = tpu.vector_load %arg7[%swap3A_218, %swap3A_219, %swap3A_220] {strides = array<i32>} : memref<4x128x128xf32, #tpu.memory_space<vmem>>, vector<1x1x16xf32>,
      %swap3A_222 = vector.shape_cast %swap3A_221 : vector<1x1x16xf32> to vector<16xf32>
      %swap3A_223 = vector.shape_cast %get3A_216 : vector<16xf32> to vector<1x1x16xf32>
      tpu.vector_store %arg7[%swap3A_218, %swap3A_219, %swap3A_220], %swap3A_223 {strides = array<i32>} : memref<4x128x128xf32, #tpu.memory_space<vmem>>, vector<1x1x16xf32>,
      %get3A_224 = arith.index_cast %scan3A_192 : i32 to index
      %get3A_225 = arith.constant 48 : index
      %get3A_226 = tpu.vector_load %arg8[%get3A_224, %get3A_225] {strides = array<i32>} : memref<128x128xf32, #tpu.memory_space<vmem>>, vector<1x16xf32>,
      %get3A_227 = vector.shape_cast %get3A_226 : vector<1x16xf32> to vector<16xf32>
      %swap3A_228 = arith.constant 2 : i32
      %swap3A_229 = arith.index_cast %swap3A_228 : i32 to index
      %swap3A_230 = arith.index_cast %scan3A_192 : i32 to index
      %swap3A_231 = arith.constant 48 : index
      %swap3A_232 = tpu.vector_load %arg7[%swap3A_229, %swap3A_230, %swap3A_231] {strides = array<i32>} : memref<4x128x128xf32, #tpu.memory_space<vmem>>, vector<1x1x16xf32>,
      %swap3A_233 = vector.shape_cast %swap3A_232 : vector<1x1x16xf32> to vector<16xf32>
      %swap3A_234 = vector.shape_cast %get3A_227 : vector<16xf32> to vector<1x1x16xf32>
      tpu.vector_store %arg7[%swap3A_229, %swap3A_230, %swap3A_231], %swap3A_234 {strides = array<i32>} : memref<4x128x128xf32, #tpu.memory_space<vmem>>, vector<1x1x16xf32>,
      %get3A_235 = arith.index_cast %scan3A_192 : i32 to index
      %get3A_236 = arith.constant 64 : index
      %get3A_237 = tpu.vector_load %arg8[%get3A_235, %get3A_236] {strides = array<i32>} : memref<128x128xf32, #tpu.memory_space<vmem>>, vector<1x16xf32>,
      %get3A_238 = vector.shape_cast %get3A_237 : vector<1x16xf32> to vector<16xf32>
      %swap3A_239 = arith.constant 2 : i32
      %swap3A_240 = arith.index_cast %swap3A_239 : i32 to index
      %swap3A_241 = arith.index_cast %scan3A_192 : i32 to index
      %swap3A_242 = arith.constant 64 : index
      %swap3A_243 = tpu.vector_load %arg7[%swap3A_240, %swap3A_241, %swap3A_242] {strides = array<i32>} : memref<4x128x128xf32, #tpu.memory_space<vmem>>, vector<1x1x16xf32>,
      %swap3A_244 = vector.shape_cast %swap3A_243 : vector<1x1x16xf32> to vector<16xf32>
      %swap3A_245 = vector.shape_cast %get3A_238 : vector<16xf32> to vector<1x1x16xf32>
      tpu.vector_store %arg7[%swap3A_240, %swap3A_241, %swap3A_242], %swap3A_245 {strides = array<i32>} : memref<4x128x128xf32, #tpu.memory_space<vmem>>, vector<1x1x16xf32>,
      %get3A_246 = arith.index_cast %scan3A_192 : i32 to index
      %get3A_247 = arith.constant 80 : index
      %get3A_248 = tpu.vector_load %arg8[%get3A_246, %get3A_247] {strides = array<i32>} : memref<128x128xf32, #tpu.memory_space<vmem>>, vector<1x16xf32>,
      %get3A_249 = vector.shape_cast %get3A_248 : vector<1x16xf32> to vector<16xf32>
      %swap3A_250 = arith.constant 2 : i32
      %swap3A_251 = arith.index_cast %swap3A_250 : i32 to index
      %swap3A_252 = arith.index_cast %scan3A_192 : i32 to index
      %swap3A_253 = arith.constant 80 : index
      %swap3A_254 = tpu.vector_load %arg7[%swap3A_251, %swap3A_252, %swap3A_253] {strides = array<i32>} : memref<4x128x128xf32, #tpu.memory_space<vmem>>, vector<1x1x16xf32>,
      %swap3A_255 = vector.shape_cast %swap3A_254 : vector<1x1x16xf32> to vector<16xf32>
      %swap3A_256 = vector.shape_cast %get3A_249 : vector<16xf32> to vector<1x1x16xf32>
      tpu.vector_store %arg7[%swap3A_251, %swap3A_252, %swap3A_253], %swap3A_256 {strides = array<i32>} : memref<4x128x128xf32, #tpu.memory_space<vmem>>, vector<1x1x16xf32>,
      %get3A_257 = arith.index_cast %scan3A_192 : i32 to index
      %get3A_258 = arith.constant 96 : index
      %get3A_259 = tpu.vector_load %arg8[%get3A_257, %get3A_258] {strides = array<i32>} : memref<128x128xf32, #tpu.memory_space<vmem>>, vector<1x16xf32>,
      %get3A_260 = vector.shape_cast %get3A_259 : vector<1x16xf32> to vector<16xf32>
      %swap3A_261 = arith.constant 2 : i32
      %swap3A_262 = arith.index_cast %swap3A_261 : i32 to index
      %swap3A_263 = arith.index_cast %scan3A_192 : i32 to index
      %swap3A_264 = arith.constant 96 : index
      %swap3A_265 = tpu.vector_load %arg7[%swap3A_262, %swap3A_263, %swap3A_264] {strides = array<i32>} : memref<4x128x128xf32, #tpu.memory_space<vmem>>, vector<1x1x16xf32>,
      %swap3A_266 = vector.shape_cast %swap3A_265 : vector<1x1x16xf32> to vector<16xf32>
      %swap3A_267 = vector.shape_cast %get3A_260 : vector<16xf32> to vector<1x1x16xf32>
      tpu.vector_store %arg7[%swap3A_262, %swap3A_263, %swap3A_264], %swap3A_267 {strides = array<i32>} : memref<4x128x128xf32, #tpu.memory_space<vmem>>, vector<1x1x16xf32>,
      %get3A_268 = arith.index_cast %scan3A_192 : i32 to index
      %get3A_269 = arith.constant 112 : index
      %get3A_270 = tpu.vector_load %arg8[%get3A_268, %get3A_269] {strides = array<i32>} : memref<128x128xf32, #tpu.memory_space<vmem>>, vector<1x16xf32>,
      %get3A_271 = vector.shape_cast %get3A_270 : vector<1x16xf32> to vector<16xf32>
      %swap3A_272 = arith.constant 2 : i32
      %swap3A_273 = arith.index_cast %swap3A_272 : i32 to index
      %swap3A_274 = arith.index_cast %scan3A_192 : i32 to index
      %swap3A_275 = arith.constant 112 : index
      %swap3A_276 = tpu.vector_load %arg7[%swap3A_273, %swap3A_274, %swap3A_275] {strides = array<i32>} : memref<4x128x128xf32, #tpu.memory_space<vmem>>, vector<1x1x16xf32>,
      %swap3A_277 = vector.shape_cast %swap3A_276 : vector<1x1x16xf32> to vector<16xf32>
      %swap3A_278 = vector.shape_cast %get3A_271 : vector<16xf32> to vector<1x1x16xf32>
      tpu.vector_store %arg7[%swap3A_273, %swap3A_274, %swap3A_275], %swap3A_278 {strides = array<i32>} : memref<4x128x128xf32, #tpu.memory_space<vmem>>, vector<1x1x16xf32>,
    }
    %scan3A_83 = arith.constant 128 : i32
    %dma_start3A_84 = arith.constant 2 : i32
    %dma_start3A_85 = arith.constant 2 : i32
    %dma_start3A_86 = arith.constant 2 : i32
    %dma_start3A_87 = arith.constant 0 : i32
    %dma_start3A_88 = arith.constant 0 : i32
    %dma_start3A_89 = tpu.memref_slice %arg7[%dma_start3A_85, %dma_start3A_87, %dma_start3A_88] : memref<4x128x128xf32, #tpu.memory_space<vmem>> -> memref<1x128x128xf32, #tpu.memory_space<vmem>>
    %dma_start3A_90 = tpu.memref_squeeze %dma_start3A_89 : memref<1x128x128xf32, #tpu.memory_space<vmem>> -> memref<128x128xf32, #tpu.memory_space<vmem>>
    %dma_start3A_91 = arith.constant 0 : i32
    %dma_start3A_92 = tpu.memref_slice %arg6[%dma_start3A_84, %dma_start3A_91] : memref<4x128xi32, #tpu.memory_space<vmem>> -> memref<1x128xi32, #tpu.memory_space<vmem>>
    %dma_start3A_93 = tpu.memref_squeeze %dma_start3A_92 : memref<1x128xi32, #tpu.memory_space<vmem>> -> memref<128xi32, #tpu.memory_space<vmem>>
    %dma_start3A_94 = arith.constant 0 : i32
    %dma_start3A_95 = arith.constant 0 : i32
    %dma_start3A_96 = tpu.memref_slice %arg3[%dma_start3A_94, %dma_start3A_95] : memref<1000000x128xf32, #tpu.memory_space<hbm>> -> memref<1000000x128xf32, #tpu.memory_space<hbm>>
    %dma_start3A_97 = tpu.memref_slice %arg12[%dma_start3A_86] : memref<4x!tpu.dma_semaphore, #tpu.memory_space<semaphore_mem>> -> memref<1x!tpu.dma_semaphore, #tpu.memory_space<semaphore_mem>>
    %dma_start3A_98 = tpu.memref_squeeze %dma_start3A_97 : memref<1x!tpu.dma_semaphore, #tpu.memory_space<semaphore_mem>> -> memref<!tpu.dma_semaphore, #tpu.memory_space<semaphore_mem>>
    tpu.enqueue_indirect_dma source(%dma_start3A_96 : memref<1000000x128xf32, #tpu.memory_space<hbm>>) target(%dma_start3A_90 : memref<128x128xf32, #tpu.memory_space<vmem>>) offsets(%dma_start3A_93 : memref<128xi32, #tpu.memory_space<vmem>>) semaphore(%dma_start3A_98 : memref<!tpu.dma_semaphore, #tpu.memory_space<semaphore_mem>>) {add = true}
    %scan3A_99 = arith.constant 0 : i32
    %scan3A_100 = arith.constant 0 : i32
    %scan3A_101 = arith.constant 128 : i32
    %scan3A_102 = arith.addi %scan3A_100, %scan3A_101 : i32
    %scan3A_103 = arith.constant 1 : i32
    scf.for %scan3A_192 = %scan3A_100 to %scan3A_102 step %scan3A_103  : i32 {
      %get3A = arith.index_cast %scan3A_192 : i32 to index
      %get3A_193 = arith.constant 0 : index
      %get3A_194 = tpu.vector_load %arg8[%get3A, %get3A_193] {strides = array<i32>} : memref<128x128xf32, #tpu.memory_space<vmem>>, vector<1x16xf32>,
      %get3A_195 = vector.shape_cast %get3A_194 : vector<1x16xf32> to vector<16xf32>
      %swap3A = arith.constant 3 : i32
      %swap3A_196 = arith.index_cast %swap3A : i32 to index
      %swap3A_197 = arith.index_cast %scan3A_192 : i32 to index
      %swap3A_198 = arith.constant 0 : index
      %swap3A_199 = tpu.vector_load %arg7[%swap3A_196, %swap3A_197, %swap3A_198] {strides = array<i32>} : memref<4x128x128xf32, #tpu.memory_space<vmem>>, vector<1x1x16xf32>,
      %swap3A_200 = vector.shape_cast %swap3A_199 : vector<1x1x16xf32> to vector<16xf32>
      %swap3A_201 = vector.shape_cast %get3A_195 : vector<16xf32> to vector<1x1x16xf32>
      tpu.vector_store %arg7[%swap3A_196, %swap3A_197, %swap3A_198], %swap3A_201 {strides = array<i32>} : memref<4x128x128xf32, #tpu.memory_space<vmem>>, vector<1x1x16xf32>,
      %get3A_202 = arith.index_cast %scan3A_192 : i32 to index
      %get3A_203 = arith.constant 16 : index
      %get3A_204 = tpu.vector_load %arg8[%get3A_202, %get3A_203] {strides = array<i32>} : memref<128x128xf32, #tpu.memory_space<vmem>>, vector<1x16xf32>,
      %get3A_205 = vector.shape_cast %get3A_204 : vector<1x16xf32> to vector<16xf32>
      %swap3A_206 = arith.constant 3 : i32
      %swap3A_207 = arith.index_cast %swap3A_206 : i32 to index
      %swap3A_208 = arith.index_cast %scan3A_192 : i32 to index
      %swap3A_209 = arith.constant 16 : index
      %swap3A_210 = tpu.vector_load %arg7[%swap3A_207, %swap3A_208, %swap3A_209] {strides = array<i32>} : memref<4x128x128xf32, #tpu.memory_space<vmem>>, vector<1x1x16xf32>,
      %swap3A_211 = vector.shape_cast %swap3A_210 : vector<1x1x16xf32> to vector<16xf32>
      %swap3A_212 = vector.shape_cast %get3A_205 : vector<16xf32> to vector<1x1x16xf32>
      tpu.vector_store %arg7[%swap3A_207, %swap3A_208, %swap3A_209], %swap3A_212 {strides = array<i32>} : memref<4x128x128xf32, #tpu.memory_space<vmem>>, vector<1x1x16xf32>,
      %get3A_213 = arith.index_cast %scan3A_192 : i32 to index
      %get3A_214 = arith.constant 32 : index
      %get3A_215 = tpu.vector_load %arg8[%get3A_213, %get3A_214] {strides = array<i32>} : memref<128x128xf32, #tpu.memory_space<vmem>>, vector<1x16xf32>,
      %get3A_216 = vector.shape_cast %get3A_215 : vector<1x16xf32> to vector<16xf32>
      %swap3A_217 = arith.constant 3 : i32
      %swap3A_218 = arith.index_cast %swap3A_217 : i32 to index
      %swap3A_219 = arith.index_cast %scan3A_192 : i32 to index
      %swap3A_220 = arith.constant 32 : index
      %swap3A_221 = tpu.vector_load %arg7[%swap3A_218, %swap3A_219, %swap3A_220] {strides = array<i32>} : memref<4x128x128xf32, #tpu.memory_space<vmem>>, vector<1x1x16xf32>,
      %swap3A_222 = vector.shape_cast %swap3A_221 : vector<1x1x16xf32> to vector<16xf32>
      %swap3A_223 = vector.shape_cast %get3A_216 : vector<16xf32> to vector<1x1x16xf32>
      tpu.vector_store %arg7[%swap3A_218, %swap3A_219, %swap3A_220], %swap3A_223 {strides = array<i32>} : memref<4x128x128xf32, #tpu.memory_space<vmem>>, vector<1x1x16xf32>,
      %get3A_224 = arith.index_cast %scan3A_192 : i32 to index
      %get3A_225 = arith.constant 48 : index
      %get3A_226 = tpu.vector_load %arg8[%get3A_224, %get3A_225] {strides = array<i32>} : memref<128x128xf32, #tpu.memory_space<vmem>>, vector<1x16xf32>,
      %get3A_227 = vector.shape_cast %get3A_226 : vector<1x16xf32> to vector<16xf32>
      %swap3A_228 = arith.constant 3 : i32
      %swap3A_229 = arith.index_cast %swap3A_228 : i32 to index
      %swap3A_230 = arith.index_cast %scan3A_192 : i32 to index
      %swap3A_231 = arith.constant 48 : index
      %swap3A_232 = tpu.vector_load %arg7[%swap3A_229, %swap3A_230, %swap3A_231] {strides = array<i32>} : memref<4x128x128xf32, #tpu.memory_space<vmem>>, vector<1x1x16xf32>,
      %swap3A_233 = vector.shape_cast %swap3A_232 : vector<1x1x16xf32> to vector<16xf32>
      %swap3A_234 = vector.shape_cast %get3A_227 : vector<16xf32> to vector<1x1x16xf32>
      tpu.vector_store %arg7[%swap3A_229, %swap3A_230, %swap3A_231], %swap3A_234 {strides = array<i32>} : memref<4x128x128xf32, #tpu.memory_space<vmem>>, vector<1x1x16xf32>,
      %get3A_235 = arith.index_cast %scan3A_192 : i32 to index
      %get3A_236 = arith.constant 64 : index
      %get3A_237 = tpu.vector_load %arg8[%get3A_235, %get3A_236] {strides = array<i32>} : memref<128x128xf32, #tpu.memory_space<vmem>>, vector<1x16xf32>,
      %get3A_238 = vector.shape_cast %get3A_237 : vector<1x16xf32> to vector<16xf32>
      %swap3A_239 = arith.constant 3 : i32
      %swap3A_240 = arith.index_cast %swap3A_239 : i32 to index
      %swap3A_241 = arith.index_cast %scan3A_192 : i32 to index
      %swap3A_242 = arith.constant 64 : index
      %swap3A_243 = tpu.vector_load %arg7[%swap3A_240, %swap3A_241, %swap3A_242] {strides = array<i32>} : memref<4x128x128xf32, #tpu.memory_space<vmem>>, vector<1x1x16xf32>,
      %swap3A_244 = vector.shape_cast %swap3A_243 : vector<1x1x16xf32> to vector<16xf32>
      %swap3A_245 = vector.shape_cast %get3A_238 : vector<16xf32> to vector<1x1x16xf32>
      tpu.vector_store %arg7[%swap3A_240, %swap3A_241, %swap3A_242], %swap3A_245 {strides = array<i32>} : memref<4x128x128xf32, #tpu.memory_space<vmem>>, vector<1x1x16xf32>,
      %get3A_246 = arith.index_cast %scan3A_192 : i32 to index
      %get3A_247 = arith.constant 80 : index
      %get3A_248 = tpu.vector_load %arg8[%get3A_246, %get3A_247] {strides = array<i32>} : memref<128x128xf32, #tpu.memory_space<vmem>>, vector<1x16xf32>,
      %get3A_249 = vector.shape_cast %get3A_248 : vector<1x16xf32> to vector<16xf32>
      %swap3A_250 = arith.constant 3 : i32
      %swap3A_251 = arith.index_cast %swap3A_250 : i32 to index
      %swap3A_252 = arith.index_cast %scan3A_192 : i32 to index
      %swap3A_253 = arith.constant 80 : index
      %swap3A_254 = tpu.vector_load %arg7[%swap3A_251, %swap3A_252, %swap3A_253] {strides = array<i32>} : memref<4x128x128xf32, #tpu.memory_space<vmem>>, vector<1x1x16xf32>,
      %swap3A_255 = vector.shape_cast %swap3A_254 : vector<1x1x16xf32> to vector<16xf32>
      %swap3A_256 = vector.shape_cast %get3A_249 : vector<16xf32> to vector<1x1x16xf32>
      tpu.vector_store %arg7[%swap3A_251, %swap3A_252, %swap3A_253], %swap3A_256 {strides = array<i32>} : memref<4x128x128xf32, #tpu.memory_space<vmem>>, vector<1x1x16xf32>,
      %get3A_257 = arith.index_cast %scan3A_192 : i32 to index
      %get3A_258 = arith.constant 96 : index
      %get3A_259 = tpu.vector_load %arg8[%get3A_257, %get3A_258] {strides = array<i32>} : memref<128x128xf32, #tpu.memory_space<vmem>>, vector<1x16xf32>,
      %get3A_260 = vector.shape_cast %get3A_259 : vector<1x16xf32> to vector<16xf32>
      %swap3A_261 = arith.constant 3 : i32
      %swap3A_262 = arith.index_cast %swap3A_261 : i32 to index
      %swap3A_263 = arith.index_cast %scan3A_192 : i32 to index
      %swap3A_264 = arith.constant 96 : index
      %swap3A_265 = tpu.vector_load %arg7[%swap3A_262, %swap3A_263, %swap3A_264] {strides = array<i32>} : memref<4x128x128xf32, #tpu.memory_space<vmem>>, vector<1x1x16xf32>,
      %swap3A_266 = vector.shape_cast %swap3A_265 : vector<1x1x16xf32> to vector<16xf32>
      %swap3A_267 = vector.shape_cast %get3A_260 : vector<16xf32> to vector<1x1x16xf32>
      tpu.vector_store %arg7[%swap3A_262, %swap3A_263, %swap3A_264], %swap3A_267 {strides = array<i32>} : memref<4x128x128xf32, #tpu.memory_space<vmem>>, vector<1x1x16xf32>,
      %get3A_268 = arith.index_cast %scan3A_192 : i32 to index
      %get3A_269 = arith.constant 112 : index
      %get3A_270 = tpu.vector_load %arg8[%get3A_268, %get3A_269] {strides = array<i32>} : memref<128x128xf32, #tpu.memory_space<vmem>>, vector<1x16xf32>,
      %get3A_271 = vector.shape_cast %get3A_270 : vector<1x16xf32> to vector<16xf32>
      %swap3A_272 = arith.constant 3 : i32
      %swap3A_273 = arith.index_cast %swap3A_272 : i32 to index
      %swap3A_274 = arith.index_cast %scan3A_192 : i32 to index
      %swap3A_275 = arith.constant 112 : index
      %swap3A_276 = tpu.vector_load %arg7[%swap3A_273, %swap3A_274, %swap3A_275] {strides = array<i32>} : memref<4x128x128xf32, #tpu.memory_space<vmem>>, vector<1x1x16xf32>,
      %swap3A_277 = vector.shape_cast %swap3A_276 : vector<1x1x16xf32> to vector<16xf32>
      %swap3A_278 = vector.shape_cast %get3A_271 : vector<16xf32> to vector<1x1x16xf32>
      tpu.vector_store %arg7[%swap3A_273, %swap3A_274, %swap3A_275], %swap3A_278 {strides = array<i32>} : memref<4x128x128xf32, #tpu.memory_space<vmem>>, vector<1x1x16xf32>,
    }
    %scan3A_104 = arith.constant 128 : i32
    %dma_start3A_105 = arith.constant 3 : i32
    %dma_start3A_106 = arith.constant 3 : i32
    %dma_start3A_107 = arith.constant 3 : i32
    %dma_start3A_108 = arith.constant 0 : i32
    %dma_start3A_109 = arith.constant 0 : i32
    %dma_start3A_110 = tpu.memref_slice %arg7[%dma_start3A_106, %dma_start3A_108, %dma_start3A_109] : memref<4x128x128xf32, #tpu.memory_space<vmem>> -> memref<1x128x128xf32, #tpu.memory_space<vmem>>
    %dma_start3A_111 = tpu.memref_squeeze %dma_start3A_110 : memref<1x128x128xf32, #tpu.memory_space<vmem>> -> memref<128x128xf32, #tpu.memory_space<vmem>>
    %dma_start3A_112 = arith.constant 0 : i32
    %dma_start3A_113 = tpu.memref_slice %arg6[%dma_start3A_105, %dma_start3A_112] : memref<4x128xi32, #tpu.memory_space<vmem>> -> memref<1x128xi32, #tpu.memory_space<vmem>>
    %dma_start3A_114 = tpu.memref_squeeze %dma_start3A_113 : memref<1x128xi32, #tpu.memory_space<vmem>> -> memref<128xi32, #tpu.memory_space<vmem>>
    %dma_start3A_115 = arith.constant 0 : i32
    %dma_start3A_116 = arith.constant 0 : i32
    %dma_start3A_117 = tpu.memref_slice %arg3[%dma_start3A_115, %dma_start3A_116] : memref<1000000x128xf32, #tpu.memory_space<hbm>> -> memref<1000000x128xf32, #tpu.memory_space<hbm>>
    %dma_start3A_118 = tpu.memref_slice %arg12[%dma_start3A_107] : memref<4x!tpu.dma_semaphore, #tpu.memory_space<semaphore_mem>> -> memref<1x!tpu.dma_semaphore, #tpu.memory_space<semaphore_mem>>
    %dma_start3A_119 = tpu.memref_squeeze %dma_start3A_118 : memref<1x!tpu.dma_semaphore, #tpu.memory_space<semaphore_mem>> -> memref<!tpu.dma_semaphore, #tpu.memory_space<semaphore_mem>>
    tpu.enqueue_indirect_dma source(%dma_start3A_117 : memref<1000000x128xf32, #tpu.memory_space<hbm>>) target(%dma_start3A_111 : memref<128x128xf32, #tpu.memory_space<vmem>>) offsets(%dma_start3A_114 : memref<128xi32, #tpu.memory_space<vmem>>) semaphore(%dma_start3A_119 : memref<!tpu.dma_semaphore, #tpu.memory_space<semaphore_mem>>) {add = true}
    %dma_wait3A_120 = arith.constant 0 : i32
    %dma_wait3A_121 = arith.constant 0 : i32
    %dma_wait3A_122 = arith.constant 0 : i32
    %dma_wait3A_123 = arith.constant 0 : i32
    %dma_wait3A_124 = arith.constant 0 : i32
    %dma_wait3A_125 = tpu.memref_slice %arg7[%dma_wait3A_121, %dma_wait3A_123, %dma_wait3A_124] : memref<4x128x128xf32, #tpu.memory_space<vmem>> -> memref<1x128x128xf32, #tpu.memory_space<vmem>>
    %dma_wait3A_126 = tpu.memref_squeeze %dma_wait3A_125 : memref<1x128x128xf32, #tpu.memory_space<vmem>> -> memref<128x128xf32, #tpu.memory_space<vmem>>
    %dma_wait3A_127 = arith.constant 0 : i32
    %dma_wait3A_128 = tpu.memref_slice %arg6[%dma_wait3A_120, %dma_wait3A_127] : memref<4x128xi32, #tpu.memory_space<vmem>> -> memref<1x128xi32, #tpu.memory_space<vmem>>
    %dma_wait3A_129 = tpu.memref_squeeze %dma_wait3A_128 : memref<1x128xi32, #tpu.memory_space<vmem>> -> memref<128xi32, #tpu.memory_space<vmem>>
    %dma_wait3A_130 = arith.constant 0 : i32
    %dma_wait3A_131 = arith.constant 0 : i32
    %dma_wait3A_132 = tpu.memref_slice %arg3[%dma_wait3A_130, %dma_wait3A_131] : memref<1000000x128xf32, #tpu.memory_space<hbm>> -> memref<1000000x128xf32, #tpu.memory_space<hbm>>
    %dma_wait3A_133 = tpu.memref_slice %arg12[%dma_wait3A_122] : memref<4x!tpu.dma_semaphore, #tpu.memory_space<semaphore_mem>> -> memref<1x!tpu.dma_semaphore, #tpu.memory_space<semaphore_mem>>
    %dma_wait3A_134 = tpu.memref_squeeze %dma_wait3A_133 : memref<1x!tpu.dma_semaphore, #tpu.memory_space<semaphore_mem>> -> memref<!tpu.dma_semaphore, #tpu.memory_space<semaphore_mem>>
    tpu.wait_indirect_dma semaphore(%dma_wait3A_134 : memref<!tpu.dma_semaphore, #tpu.memory_space<semaphore_mem>>) src(%dma_wait3A_132 : memref<1000000x128xf32, #tpu.memory_space<hbm>>) dst(%dma_wait3A_126 : memref<128x128xf32, #tpu.memory_space<vmem>>)
    %dma_wait3A_135 = arith.constant 1 : i32
    %dma_wait3A_136 = arith.constant 1 : i32
    %dma_wait3A_137 = arith.constant 1 : i32
    %dma_wait3A_138 = arith.constant 0 : i32
    %dma_wait3A_139 = arith.constant 0 : i32
    %dma_wait3A_140 = tpu.memref_slice %arg7[%dma_wait3A_136, %dma_wait3A_138, %dma_wait3A_139] : memref<4x128x128xf32, #tpu.memory_space<vmem>> -> memref<1x128x128xf32, #tpu.memory_space<vmem>>
    %dma_wait3A_141 = tpu.memref_squeeze %dma_wait3A_140 : memref<1x128x128xf32, #tpu.memory_space<vmem>> -> memref<128x128xf32, #tpu.memory_space<vmem>>
    %dma_wait3A_142 = arith.constant 0 : i32
    %dma_wait3A_143 = tpu.memref_slice %arg6[%dma_wait3A_135, %dma_wait3A_142] : memref<4x128xi32, #tpu.memory_space<vmem>> -> memref<1x128xi32, #tpu.memory_space<vmem>>
    %dma_wait3A_144 = tpu.memref_squeeze %dma_wait3A_143 : memref<1x128xi32, #tpu.memory_space<vmem>> -> memref<128xi32, #tpu.memory_space<vmem>>
    %dma_wait3A_145 = arith.constant 0 : i32
    %dma_wait3A_146 = arith.constant 0 : i32
    %dma_wait3A_147 = tpu.memref_slice %arg3[%dma_wait3A_145, %dma_wait3A_146] : memref<1000000x128xf32, #tpu.memory_space<hbm>> -> memref<1000000x128xf32, #tpu.memory_space<hbm>>
    %dma_wait3A_148 = tpu.memref_slice %arg12[%dma_wait3A_137] : memref<4x!tpu.dma_semaphore, #tpu.memory_space<semaphore_mem>> -> memref<1x!tpu.dma_semaphore, #tpu.memory_space<semaphore_mem>>
    %dma_wait3A_149 = tpu.memref_squeeze %dma_wait3A_148 : memref<1x!tpu.dma_semaphore, #tpu.memory_space<semaphore_mem>> -> memref<!tpu.dma_semaphore, #tpu.memory_space<semaphore_mem>>
    tpu.wait_indirect_dma semaphore(%dma_wait3A_149 : memref<!tpu.dma_semaphore, #tpu.memory_space<semaphore_mem>>) src(%dma_wait3A_147 : memref<1000000x128xf32, #tpu.memory_space<hbm>>) dst(%dma_wait3A_141 : memref<128x128xf32, #tpu.memory_space<vmem>>)
    %dma_wait3A_150 = arith.constant 2 : i32
    %dma_wait3A_151 = arith.constant 2 : i32
    %dma_wait3A_152 = arith.constant 2 : i32
    %dma_wait3A_153 = arith.constant 0 : i32
    %dma_wait3A_154 = arith.constant 0 : i32
    %dma_wait3A_155 = tpu.memref_slice %arg7[%dma_wait3A_151, %dma_wait3A_153, %dma_wait3A_154] : memref<4x128x128xf32, #tpu.memory_space<vmem>> -> memref<1x128x128xf32, #tpu.memory_space<vmem>>
    %dma_wait3A_156 = tpu.memref_squeeze %dma_wait3A_155 : memref<1x128x128xf32, #tpu.memory_space<vmem>> -> memref<128x128xf32, #tpu.memory_space<vmem>>
    %dma_wait3A_157 = arith.constant 0 : i32
    %dma_wait3A_158 = tpu.memref_slice %arg6[%dma_wait3A_150, %dma_wait3A_157] : memref<4x128xi32, #tpu.memory_space<vmem>> -> memref<1x128xi32, #tpu.memory_space<vmem>>
    %dma_wait3A_159 = tpu.memref_squeeze %dma_wait3A_158 : memref<1x128xi32, #tpu.memory_space<vmem>> -> memref<128xi32, #tpu.memory_space<vmem>>
    %dma_wait3A_160 = arith.constant 0 : i32
    %dma_wait3A_161 = arith.constant 0 : i32
    %dma_wait3A_162 = tpu.memref_slice %arg3[%dma_wait3A_160, %dma_wait3A_161] : memref<1000000x128xf32, #tpu.memory_space<hbm>> -> memref<1000000x128xf32, #tpu.memory_space<hbm>>
    %dma_wait3A_163 = tpu.memref_slice %arg12[%dma_wait3A_152] : memref<4x!tpu.dma_semaphore, #tpu.memory_space<semaphore_mem>> -> memref<1x!tpu.dma_semaphore, #tpu.memory_space<semaphore_mem>>
    %dma_wait3A_164 = tpu.memref_squeeze %dma_wait3A_163 : memref<1x!tpu.dma_semaphore, #tpu.memory_space<semaphore_mem>> -> memref<!tpu.dma_semaphore, #tpu.memory_space<semaphore_mem>>
    tpu.wait_indirect_dma semaphore(%dma_wait3A_164 : memref<!tpu.dma_semaphore, #tpu.memory_space<semaphore_mem>>) src(%dma_wait3A_162 : memref<1000000x128xf32, #tpu.memory_space<hbm>>) dst(%dma_wait3A_156 : memref<128x128xf32, #tpu.memory_space<vmem>>)
    %dma_wait3A_165 = arith.constant 3 : i32
    %dma_wait3A_166 = arith.constant 3 : i32
    %dma_wait3A_167 = arith.constant 3 : i32
    %dma_wait3A_168 = arith.constant 0 : i32
    %dma_wait3A_169 = arith.constant 0 : i32
    %dma_wait3A_170 = tpu.memref_slice %arg7[%dma_wait3A_166, %dma_wait3A_168, %dma_wait3A_169] : memref<4x128x128xf32, #tpu.memory_space<vmem>> -> memref<1x128x128xf32, #tpu.memory_space<vmem>>
    %dma_wait3A_171 = tpu.memref_squeeze %dma_wait3A_170 : memref<1x128x128xf32, #tpu.memory_space<vmem>> -> memref<128x128xf32, #tpu.memory_space<vmem>>
    %dma_wait3A_172 = arith.constant 0 : i32
    %dma_wait3A_173 = tpu.memref_slice %arg6[%dma_wait3A_165, %dma_wait3A_172] : memref<4x128xi32, #tpu.memory_space<vmem>> -> memref<1x128xi32, #tpu.memory_space<vmem>>
    %dma_wait3A_174 = tpu.memref_squeeze %dma_wait3A_173 : memref<1x128xi32, #tpu.memory_space<vmem>> -> memref<128xi32, #tpu.memory_space<vmem>>
    %dma_wait3A_175 = arith.constant 0 : i32
    %dma_wait3A_176 = arith.constant 0 : i32
    %dma_wait3A_177 = tpu.memref_slice %arg3[%dma_wait3A_175, %dma_wait3A_176] : memref<1000000x128xf32, #tpu.memory_space<hbm>> -> memref<1000000x128xf32, #tpu.memory_space<hbm>>
    %dma_wait3A_178 = tpu.memref_slice %arg12[%dma_wait3A_167] : memref<4x!tpu.dma_semaphore, #tpu.memory_space<semaphore_mem>> -> memref<1x!tpu.dma_semaphore, #tpu.memory_space<semaphore_mem>>
    %dma_wait3A_179 = tpu.memref_squeeze %dma_wait3A_178 : memref<1x!tpu.dma_semaphore, #tpu.memory_space<semaphore_mem>> -> memref<!tpu.dma_semaphore, #tpu.memory_space<semaphore_mem>>
    tpu.wait_indirect_dma semaphore(%dma_wait3A_179 : memref<!tpu.dma_semaphore, #tpu.memory_space<semaphore_mem>>) src(%dma_wait3A_177 : memref<1000000x128xf32, #tpu.memory_space<hbm>>) dst(%dma_wait3A_171 : memref<128x128xf32, #tpu.memory_space<vmem>>)
    %dma_start3A_180 = arith.constant 0 : i32
    %dma_start3A_181 = arith.constant 0 : i32
    %dma_start3A_182 = tpu.memref_slice %arg5[%dma_start3A_180, %mul3A_2, %dma_start3A_181] : memref<4x4096x128xf32, #tpu.memory_space<hbm>> -> memref<4x128x128xf32, #tpu.memory_space<hbm>>
    %dma_start3A_183 = arith.constant 0 : i32
    %dma_start3A_184 = arith.constant 0 : i32
    %dma_start3A_185 = tpu.memref_slice %arg5[%dma_start3A_183, %mul3A_2, %dma_start3A_184] : memref<4x4096x128xf32, #tpu.memory_space<hbm>> -> memref<4x128x128xf32, #tpu.memory_space<hbm>>
    tpu.enqueue_dma source(%arg7 : memref<4x128x128xf32, #tpu.memory_space<vmem>>) target(%dma_start3A_185 : memref<4x128x128xf32, #tpu.memory_space<hbm>>) target_semaphore(%arg13 : memref<!tpu.dma_semaphore, #tpu.memory_space<semaphore_mem>>)
    %dma_wait3A_186 = arith.constant 0 : i32
    %dma_wait3A_187 = arith.constant 0 : i32
    %dma_wait3A_188 = tpu.memref_slice %arg5[%dma_wait3A_186, %mul3A_2, %dma_wait3A_187] : memref<4x4096x128xf32, #tpu.memory_space<hbm>> -> memref<4x128x128xf32, #tpu.memory_space<hbm>>
    %dma_wait3A_189 = arith.constant 0 : i32
    %dma_wait3A_190 = arith.constant 0 : i32
    %dma_wait3A_191 = tpu.memref_slice %arg5[%dma_wait3A_189, %mul3A_2, %dma_wait3A_190] : memref<4x4096x128xf32, #tpu.memory_space<hbm>> -> memref<4x128x128xf32, #tpu.memory_space<hbm>>
    tpu.wait_dma2 semaphore(%arg13 : memref<!tpu.dma_semaphore, #tpu.memory_space<semaphore_mem>>) src(%arg7 : memref<4x128x128xf32, #tpu.memory_space<vmem>>) dst(%dma_wait3A_191 : memref<4x128x128xf32, #tpu.memory_space<hbm>>)
    return
  }
}

</mosaic_0001>

<sc_bundles>
// kernel: _emb.3.cloned.1.call-start
scs
__scs_entry_jumppad:
0x0: {  	(pc) =	sbr.rel $0x88, $3  }
0x1: {  	(tag) =	ssettag $0x0;
	lr =	simm.s32 $0x1  }
0x2: {  	[smem:$0x3F9E] =	sst lr;
	_ =	strace $0xD0000000  }
0x3: {  	_ = 	snop  }
0x4: {  	_ = 	snop  }
0x5: {  	_ = 	snop  }
0x6: {  	_ = 	snop  }
0x7: {  	_ = 	snop  }
__scs_overlays_trampoline_lowered:
0x8: {  	[smem:$0x3FAD] =	sst s0  }
0x9: {  	[smem:$0x3FAE] =	sst s1  }
0xa: {  	[smem:$0x3FAF] =	sst s2  }
0xb: {  	[smem:$0x3FB0] =	sst s3  }
0xc: {  	[smem:$0x3FB1] =	sst s4  }
0xd: {  	[smem:$0x3FB2] =	sst s5  }
0xe: {  	[smem:$0x3FB3] =	sst s6  }
0xf: {  	[smem:$0x3FB4] =	sst s7  }
0x10: {  	[smem:$0x3FB5] =	sst s8  }
0x11: {  	[smem:$0x3FB6] =	sst s9;
	s0 =	simm.s32 @!p0 $0x0  }
0x12: {  	s1 =	sld [smem:$0x3F9C];
	s0 =	simm.s32 @p0 $0x1  }
0x13: {  	[smem:$0x3FB7] =	sst s0;
	s0 =	simm.s32 @!p1 $0x0  }
0x14: {  	s2 =	sld [smem:$0x3F9B];
	s0 =	simm.s32 @p1 $0x1  }
0x15: {  	[smem:$0x3FB8] =	sst s0;
	s0 =	simm.s32 @!p2 $0x0  }
0x16: {  	s3 =	sld [smem:$0x3FDB];
	s0 =	simm.s32 @p2 $0x1  }
0x17: {  	s4 =	simm.s32 $0x1BF5;
	[smem:$0x3FBA] =	sst s0  }
0x18: {  	s0 =	sld [smem:$0x3F9D];
	_ =	swait.ge [sflag:s4], $0x0  }
0x19: {  	s7 =	sld [smem:$0x3F9E]  }
0x1a: {  	s8 =	sadd.s32 $0xFFFFE003, lr  }
0x1b: {  	s9 =	sadd.s32 $0xFFFFFEF7, lr;
	s5 =	simm.s32 $0xFFFFFFFF;
	p2 =	slt.u32 s8, $0xFFFFF086  }
0x1c: {  	p1 =	slt.u32 s9, $0xF7A;
	s5 =	simm.s32 @!p2 $0x0  }
0x1d: {  	s5 =	simm.s32 @p1 $0x1;
	p0 =	seq.s32 s7, s2  }
0x1e: {  	s7 =	smul.u32 @!p0 $0xF7A, s2;
	p2 =	seq.s32 @!p0 s5, $0x0  }
0x1f: {  	s9 =	smul.u32 $0xF7A, s1;
	s8 =	simm.s32 @!p0 $0x1BF5;
	p2 =	por !p2, p0  }
0x20: {  	[sflag:s8] =	ssyncset.s32 @!p0 $0xFFFFF086;
	s6 =	sadd.s32 @!p0 s3, s7;
	s7 =	simm.s32 @!p0 $0x108  }
0x21: {  	s3 =	sadd.s32 s3, s9;
	s6 =	sadd.s32 @!p0 $0x88, s6;
	s7 =	simm.s32 @p2 $0x1082  }
0x22: {  	[simem:s7], [sflag:s8] =	dma.local @!p0 [hbm:s6], $0xF7A  }
0x23: {  	s9 =	sor.u32 $0xD0000000, s2;
	s6 =	simm.s32 $0x108;
	_ =	swait.ge @!p0 [sflag:s8], $0x0  }
0x24: {  	s3 =	sadd.s32 $0x88, s3;
	s6 =	simm.s32 @!p1 $0x1082;
	[sflag:s4] =	ssyncset.s32 $0xFFFFF086  }
0x25: {  	[simem:s6], [sflag:s4] =	dma.local [hbm:s3], $0xF7A  }
0x26: {  	[smem:$0x3F9E] =	sst s1;
	(tag) =	ssettag s2;
	_ =	strace s9  }
0x27: {  	s1 =	sld [smem:$0x3FAE]  }
0x28: {  	s2 =	sld [smem:$0x3FAF]  }
0x29: {  	s4 =	sld [smem:$0x3FB1]  }
0x2a: {  	p0 =	seq.s32 s5, $0x0;
	s5 =	sld [smem:$0x3FB2]  }
0x2b: {  	s6 =	sld [smem:$0x3FB3]  }
0x2c: {  	s7 =	sld [smem:$0x3FB4]  }
0x2d: {  	s3 =	simm.s32 $0x108;
	s8 =	sld [smem:$0x3FB5]  }
0x2e: {  	s3 =	simm.s32 @!p0 $0x1082;
	s9 =	sld [smem:$0x3FB6]  }
0x2f: {  	lr =	sadd.s32 s0, s3;
	s0 =	sld [smem:$0x3FAD]  }
0x30: {  	s3 =	sld [smem:$0x3FB0]  }
0x31: {  	[smem:$0x3FB9] =	sst s10  }
0x32: {  	s10 =	sld [smem:$0x3FB7];
	_ =	sdelay $0x3  }
0x33: {  	p0 =	seq.s32 s10, $0x1;
	s10 =	sld [smem:$0x3FB9];
	_ =	sdelay $0x3  }
0x34: {  	[smem:$0x3FB9] =	sst s10  }
0x35: {  	s10 =	sld [smem:$0x3FB8];
	_ =	sdelay $0x3  }
0x36: {  	p1 =	seq.s32 s10, $0x1;
	s10 =	sld [smem:$0x3FB9];
	_ =	sdelay $0x3  }
0x37: {  	[smem:$0x3FB9] =	sst s10  }
0x38: {  	s10 =	sld [smem:$0x3FBA]  }
0x39: {  	_ = 	snop;
	(pc) =	sbr.ind lr, $3  }
0x3a: {  	_ = 	snop  }
0x3b: {  	_ = 	snop  }
0x3c: {  	p2 =	seq.s32 s10, $0x1;
	s10 =	sld [smem:$0x3FB9]  }
0x3d: {  	_ =	shalt  }
0x3e: {  	_ =	shalt  }
0x3f: {  	_ =	shalt  }
0x40: {  	_ =	shalt  }
0x41: {  	_ =	shalt  }
0x42: {  	_ =	shalt  }
0x43: {  	_ =	shalt  }
0x44: {  	_ =	shalt  }
0x45: {  	_ =	shalt  }
0x46: {  	_ =	shalt  }
0x47: {  	_ =	shalt  }
0x48: {  	_ =	shalt  }
0x49: {  	_ =	shalt  }
0x4a: {  	_ =	shalt  }
0x4b: {  	_ =	shalt  }
0x4c: {  	_ =	shalt  }
0x4d: {  	_ =	shalt  }
0x4e: {  	_ =	shalt  }
0x4f: {  	_ =	shalt  }
0x50: {  	_ =	shalt  }
0x51: {  	_ =	shalt  }
0x52: {  	_ =	shalt  }
0x53: {  	_ =	shalt  }
0x54: {  	_ =	shalt  }
0x55: {  	_ =	shalt  }
0x56: {  	_ =	shalt  }
0x57: {  	_ =	shalt  }
0x58: {  	_ =	shalt  }
0x59: {  	_ =	shalt  }
0x5a: {  	_ =	shalt  }
0x5b: {  	_ =	shalt  }
0x5c: {  	_ =	shalt  }
0x5d: {  	_ =	shalt  }
0x5e: {  	_ =	shalt  }
0x5f: {  	_ =	shalt  }
0x60: {  	_ =	shalt  }
0x61: {  	_ =	shalt  }
0x62: {  	_ =	shalt  }
0x63: {  	_ =	shalt  }
0x64: {  	_ =	shalt  }
0x65: {  	_ =	shalt  }
0x66: {  	_ =	shalt  }
0x67: {  	_ =	shalt  }
0x68: {  	_ =	shalt  }
0x69: {  	_ =	shalt  }
0x6a: {  	_ =	shalt  }
0x6b: {  	_ =	shalt  }
0x6c: {  	_ =	shalt  }
0x6d: {  	_ =	shalt  }
0x6e: {  	_ =	shalt  }
0x6f: {  	_ =	shalt  }
0x70: {  	_ =	shalt  }
0x71: {  	_ =	shalt  }
0x72: {  	_ =	shalt  }
0x73: {  	_ =	shalt  }
0x74: {  	_ =	shalt  }
0x75: {  	_ =	shalt  }
0x76: {  	_ =	shalt  }
0x77: {  	_ =	shalt  }
0x78: {  	_ =	shalt  }
0x79: {  	_ =	shalt  }
0x7a: {  	_ =	shalt  }
0x7b: {  	_ =	shalt  }
0x7c: {  	_ =	shalt  }
0x7d: {  	_ =	shalt  }
0x7e: {  	_ =	shalt  }
0x7f: {  	_ =	shalt  }
0x80: {  	_ =	shalt  }
0x81: {  	_ =	shalt  }
0x82: {  	_ =	shalt  }
0x83: {  	_ =	shalt  }
0x84: {  	_ =	shalt  }
0x85: {  	_ =	shalt  }
0x86: {  	_ =	shalt  }
0x87: {  	_ =	shalt  }
.Lfunc_end0:
.L_simem_size_0:
called_computation_lowered:
.L_overlay_start_0:
0x88: {  	s2 =	sld [smem:$0x3FD9]  }
0x89: {  	s3 =	sld [smem:$0x3FFE];
	_ =	sdelay $0x1  }
0x8a: {  	s1 =	srdreg.scid  }
0x8b: {  	s0 =	sand.u32 $0x1, s1  }
0x8c: {  	s18 =	sshll.u32 s0, $0xA;
	s2 =	sadd.s32 s3, s2  }
0x8d: {  	s2 =	sadd.s32 s2, s18  }
0x8e: {  	[smem:$0x3FC5] =	sst s2  }
0x8f: {  	_ = 	snop  }
0x90: {  	s2 =	sld [smem:$0x3FC9]  }
0x91: {  	s19 =	sld [smem:$0x3FC8]  }
0x92: {  	s4 =	sld [smem:$0x3FC7]  }
0x93: {  	s5 =	sld [smem:$0x3FD0];
	(tm) =	ssettm $0x1  }
0x94: {  	s6 =	sld [smem:$0x3FFB];
	_ =	sdelay $0x3  }
0x95: {  	_ =	strace s6  }
0x96: {  	s6 =	sld [smem:$0x3FFC];
	_ =	sdelay $0x3  }
0x97: {  	_ =	strace s6  }
0x98: {  	s6 =	sld [smem:$0x3FFD];
	_ =	sdelay $0x3  }
0x99: {  	_ =	strace s6  }
0x9a: {  	_ =	strace $0x8FFFFFFF  }
0x9b: {  	s20 =	sld [smem:$0x3FDB];
	_ =	sdelay $0x1  }
0x9c: {  	s7 =	simm.s32 $_scs_section_size  }
0x9d: {  	s8 =	simm.s32 $_size__tile_overlayer_lowered;
	s9 =	simm.s32 $_tile_overlayer_lowered  }
0x9e: {  	s23 =	simm.s32 $0x1BFF;
	s22 =	sshll.u32 s9, $0x1;
	s6 =	sadd.s32 s7, s20  }
0x9f: {  	s10 =	simm.s32 $0x0;
	s21 =	sshll.u32 s8, $0x1;
	s8 =	sadd.s32 s22, s6  }
0xa0: {  	[timem:s10], [sflag:s23] =	dma.local [hbm:s8], s21  }
0xa1: {  	_ =	swait.ge [sflag:s23], s21  }
0xa2: {  	s7 =	ssub.s32 $0x0, s21;
	[sflag:s23] =	ssyncset.done $0x0  }
0xa3: {  	[sflag:s23] =	ssyncadd.s32 s7;
	_ =	sdelay $0x1  }
0xa4: {  	s24 =	simm.s32 $0x1B8B  }
0xa5: {  	_ =	swait.ge [sflag:s24], $0x1  }
0xa6: {  	[sflag:s24] =	ssyncset.done $0x0  }
0xa7: {  	s25 =	simm.s32 $0x1B8E;
	[sflag:s24] =	ssyncadd.s32 $0xFFFFFFFF  }
0xa8: {  	s26 =	simm.s32 $execute0_lowered;
	[smem:$0x3FD2] =	sst s25  }
0xa9: {  	s7 =	sshll.u32 s26, $0x1;
	_ =	strace $0x80000046;
	[dreg:$0x1] =	wrdreg $0xFFFFFFFF  }
0xaa: {  	s28 =	simm.s32 $_size_execute0_lowered;
	s6 =	sadd.s32 s6, s7;
	[dreg:$0x0] =	wrdreg $0x0  }
0xab: {  	s7 =	sshll.u32 s28, $0x1;
	[dreg:$0x2] =	wrdreg s6  }
0xac: {  	[dreg:$0x3] =	wrdreg s7  }
0xad: {  	[dreg:$0x4] =	wrdreg $0xC0  }
0xae: {  	_ =	task [dreg:s10], $0x5FFFF  }
0xaf: {  	[dreg:$0x1] =	wrdreg $0xFFFFFFFF  }
0xb0: {  	[dreg:$0x0] =	wrdreg $0x60  }
0xb1: {  	[dreg:$0x2] =	wrdreg s2  }
0xb2: {  	[dreg:$0x3] =	wrdreg s19  }
0xb3: {  	[dreg:$0x4] =	wrdreg s4  }
0xb4: {  	[dreg:$0x5] =	wrdreg s5  }
0xb5: {  	[dreg:$0x6] =	wrdreg $0x9  }
0xb6: {  	_ =	task.clear_ibuf [dreg:s10], $0x7FFFF;
	_ =	strace $0x90000046  }
0xb7: {  	s29 =	simm.s32 $0x9;
	_ =	strace $0x80000048  }
0xb8: {  	_ =	swait.ge [sflag:s29], $0x1  }
0xb9: {  	[sflag:s29] =	ssyncadd.s32 $0xFFFFFFFF  }
0xba: {  	_ =	strace $0x90000048  }
0xbb: {  	_ =	sfence  }
0xbc: {  	s30 =	sld [smem:$0x0];
	_ =	sdelay $0x2  }
0xbd: {  	s31 =	sshll.u32 s1, $0xD;
	s1 =	sshrl.u32 s1, $0x2  }
0xbe: {  	s3 =	sand.u32 $0x4000, s31;
	s1 =	sadd.s32 s1, s30  }
0xbf: {  	s0 =	sor.u32 s3, s0;
	s1 =	sshll.u32 s1, $0x11  }
0xc0: {  	s0 =	sor.u32 s1, s0  }
0xc1: {  	s0 =	sadd.s32 $0x8F2B, s0  }
0xc2: {  	[sflag:s0] =	ssyncadd.remote.s32 $0x1  }
0xc3: {  	_ =	sfence.sel $0xFFFF  }
0xc4: {  	[dreg:$0x0] =	wrdreg $0xFFFFFFFF;
	(pc) =	sbr.abs _section_cstart, $3  }
0xc5: {  	[dreg:$0x1] =	wrdreg $0xFFFFFFFF  }
0xc6: {  	_ =	task.clear_ibuf [dreg:s10], $0x2FFFF;
	_ =	strace $0x9FFFFFFF  }
0xc7: {  	(tm) =	ssettm $0x7FFFFFFF  }
tec
execute0_lowered:
.L_overlay_start_1:
0x0: {  	(tag) =	ssettag $0x1  }
0x1: {  	s4 =	rddreg [dreg:$0x0]  }
0x2: {  	s1 =	rddreg [dreg:$0x1]  }
0x3: {  	s5 =	rddreg [dreg:$0x2]  }
0x4: {  	s6 =	rddreg [dreg:$0x3]  }
0x5: {  	s0 =	rddreg [dreg:$0x4];
	s7 =	srdreg.scid  }
0x6: {  	s3 =	simm.s32 $0x0;
	s2 =	stileid.u32;
	s11 =	simm.s32 $0x2  }
0x7: {  	s12 =	simm.s32 $0x80;
	s13 =	simm.s32 $0x3;
	s14 =	simm.s32 $0x4200  }
0x8: {  	s15 =	simm.s32 $0x100;
	s16 =	simm.s32 $0x8200;
	s17 =	simm.s32 $0x180  }
0x9: {  	s18 =	simm.s32 $0xC200;
	s19 =	simm.s32 $0x4;
	s20 =	simm.s32 $0x5  }
0xa: {  	s21 =	simm.s32 $0x6;
	s22 =	simm.s32 $0x7;
	s23 =	simm.s32 $0x4000  }
0xb: {  	s24 =	simm.s32 $0x80000;
	s25 =	simm.s32 $0x8;
	s26 =	simm.s32 $0x0  }
0xc: {  	s7 =	sand.u32 $0x1, s7;
	[smem:$0x7FF] =	sst s3;
	s8 =	sshll.u32 s2, $0x8  }
0xd: {  	s9 =	sshll.u32 s7, $0x7;
	_ =	strace $0x80000047;
	s7 =	ssub.s32 $0x2, s7  }
0xe: {  	s8 =	sor.u32 s9, s8;
	s31 =	sshrl.u32 s7, $0x1;
	s9 =	simm.s32 $0x10200  }
0xf: {  	s10 =	sshrl.u32 s8, $0x1;
	s8 =	sshll.u32 s8, $0x4;
	s7 =	ssub.s32 s7, s31  }
0x10: {  	s4 =	sadd.s32 s4, s10;
	s5 =	sadd.s32 s5, s8;
	s6 =	sadd.s32 s6, s8  }
0x11: {  	s7 =	smax.u32 s7, $0x1;
	s8 =	simm.s32 $0x200;
	s10 =	simm.s32 $0x1  }
.LBB2_1:
0x12: {  	[tilespmem:s3], [sflag:$0x1] =	stream.linear.gather [hbm4b:s4+s3], $0x200, $0x38;
	[tilespmem:$0x14200] =	vst v63  }
0x13: {  	_ = 	snop  }
0x14: {  	[tilespmem:s8], [sflag:$0x2] =	stream.linear.gather [hbm4b:s5+s3], $0x4000, $0x38;
	[tilespmem:$0x14200] =	vst v63  }
0x15: {  	_ = 	snop  }
0x16: {  	[tilespmem:s9], [sflag:$0x3] =	stream.linear.gather [hbm4b:s5+s3], $0x4000, $0x38;
	[tilespmem:$0x14200] =	vst v63  }
0x17: {  	_ =	swait.ge [sflag:s10], $0x200  }
0x18: {  	[sflag:s10] =	ssyncset.done $0x0  }
0x19: {  	[sflag:s10] =	ssyncadd.s32 $0xFFFFFE00  }
0x1a: {  	_ =	swait.ge [sflag:s11], $0x4000  }
0x1b: {  	[sflag:s11] =	ssyncset.done $0x0  }
0x1c: {  	[sflag:s11] =	ssyncadd.s32 $0xFFFFC000  }
0x1d: {  	[tilespmem:s8], [sflag:$0x4] =	stream.indirect.gather.add.f32 [hbm:s1], $0x80, s3, s12, $0xb8;
	[tilespmem:$0x14200] =	vst v63  }
0x1e: {  	_ =	swait.ge [sflag:s13], $0x4000  }
0x1f: {  	[sflag:s13] =	ssyncset.done $0x0  }
0x20: {  	s28 =	simm.s32 $0x0;
	[sflag:s13] =	ssyncadd.s32 $0xFFFFC000  }
0x21: {  	v3 =	vld [tilespmem:s28+$0x10270]  }
0x22: {  	v4 =	vld [tilespmem:s28+$0x10200]  }
0x23: {  	v5 =	vld [tilespmem:s28+$0x10210]  }
0x24: {  	v2 =	vld [tilespmem:s28+$0x10220]  }
0x25: {  	v0 =	vld [tilespmem:s28+$0x10230]  }
0x26: {  	v1 =	vld [tilespmem:s28+$0x10240];
	[tilespmem:s28+$0x4270] =	vst v3  }
0x27: {  	[tilespmem:s28+$0x4200] =	vst v4;
	v3 =	vld [tilespmem:s28+$0x10250]  }
0x28: {  	s29 =	simm.s32 $0x80;
	s30 =	simm.s32 $0x400;
	[tilespmem:s28+$0x4210] =	vst v5;
	v4 =	vld [tilespmem:s28+$0x10260]  }
.LBB2_2:
0x29: {  	p0 =	sne.s32 s30, $0xFE00;
	v5 =	vld [tilespmem:s29+$0x10270];
	[tilespmem:s28+$0x4220] =	vst v2  }
0x2a: {  	v6 =	vld [tilespmem:s29+$0x10200];
	[tilespmem:s28+$0x4230] =	vst v0  }
0x2b: {  	v7 =	vld [tilespmem:s29+$0x10210];
	[tilespmem:s28+$0x4240] =	vst v1  }
.Ltmp0:
0x2c: {  	v2 =	vld [tilespmem:s29+$0x10220];
	[tilespmem:s28+$0x4250] =	vst v3;
	(pc) =	sbr.rel @p0 .LBB2_2-.Ltmp0, $4  }
0x2d: {  	v0 =	vld [tilespmem:s29+$0x10230];
	[tilespmem:s28+$0x4260] =	vst v4;
	s28 =	smov.u32 s29  }
0x2e: {  	v1 =	vld [tilespmem:s28+$0x10240];
	[tilespmem:s28+$0x4270] =	vst v5  }
0x2f: {  	[tilespmem:s28+$0x4200] =	vst v6;
	v3 =	vld [tilespmem:s28+$0x10250]  }
0x30: {  	s29 =	sshra.s32 s30, $0x2;
	s30 =	sadd.s32 $0x200, s30;
	[tilespmem:s28+$0x4210] =	vst v7;
	v4 =	vld [tilespmem:s28+$0x10260]  }
0x31: {  	v5 =	vld [tilespmem:s29+$0x10270];
	[tilespmem:s28+$0x4220] =	vst v2  }
0x32: {  	v2 =	vld [tilespmem:s29+$0x10200];
	[tilespmem:s28+$0x4230] =	vst v0  }
0x33: {  	v0 =	vld [tilespmem:s29+$0x10210];
	[tilespmem:s28+$0x4240] =	vst v1  }
0x34: {  	v1 =	vld [tilespmem:s29+$0x10220];
	[tilespmem:s28+$0x4250] =	vst v3  }
0x35: {  	v3 =	vld [tilespmem:s29+$0x10230];
	[tilespmem:s28+$0x4260] =	vst v4  }
0x36: {  	v4 =	vld [tilespmem:s29+$0x10240];
	[tilespmem:s29+$0x4270] =	vst v5  }
0x37: {  	[tilespmem:s29+$0x4200] =	vst v2;
	v2 =	vld [tilespmem:s29+$0x10250]  }
0x38: {  	[tilespmem:s29+$0x4210] =	vst v0;
	v0 =	vld [tilespmem:s29+$0x10260]  }
0x39: {  	[tilespmem:s29+$0x4220] =	vst v1  }
0x3a: {  	[tilespmem:s29+$0x4230] =	vst v3  }
0x3b: {  	[tilespmem:s29+$0x4240] =	vst v4  }
0x3c: {  	[tilespmem:s29+$0x4250] =	vst v2  }
0x3d: {  	s28 =	simm.s32 $0x0;
	[tilespmem:s29+$0x4260] =	vst v0  }
0x3e: {  	[tilespmem:s14], [sflag:$0x5] =	stream.indirect.gather.add.f32 [hbm:s1], $0x80, s12, s12, $0xb8;
	[tilespmem:$0x14200] =	vst v63  }
0x3f: {  	v3 =	vld [tilespmem:s28+$0x10270]  }
0x40: {  	v4 =	vld [tilespmem:s28+$0x10200]  }
0x41: {  	v5 =	vld [tilespmem:s28+$0x10210]  }
0x42: {  	v2 =	vld [tilespmem:s28+$0x10220]  }
0x43: {  	v0 =	vld [tilespmem:s28+$0x10230]  }
0x44: {  	v1 =	vld [tilespmem:s28+$0x10240];
	[tilespmem:s28+$0x8270] =	vst v3  }
0x45: {  	[tilespmem:s28+$0x8200] =	vst v4;
	v3 =	vld [tilespmem:s28+$0x10250]  }
0x46: {  	s30 =	simm.s32 $0x400;
	s29 =	simm.s32 $0x80;
	[tilespmem:s28+$0x8210] =	vst v5;
	v4 =	vld [tilespmem:s28+$0x10260]  }
.LBB2_4:
0x47: {  	p0 =	sne.s32 s30, $0xFE00;
	v5 =	vld [tilespmem:s29+$0x10270];
	[tilespmem:s28+$0x8220] =	vst v2  }
0x48: {  	v6 =	vld [tilespmem:s29+$0x10200];
	[tilespmem:s28+$0x8230] =	vst v0  }
0x49: {  	v7 =	vld [tilespmem:s29+$0x10210];
	[tilespmem:s28+$0x8240] =	vst v1  }
.Ltmp1:
0x4a: {  	v2 =	vld [tilespmem:s29+$0x10220];
	[tilespmem:s28+$0x8250] =	vst v3;
	(pc) =	sbr.rel @p0 .LBB2_4-.Ltmp1, $4  }
0x4b: {  	v0 =	vld [tilespmem:s29+$0x10230];
	[tilespmem:s28+$0x8260] =	vst v4;
	s28 =	smov.u32 s29  }
0x4c: {  	v1 =	vld [tilespmem:s28+$0x10240];
	[tilespmem:s28+$0x8270] =	vst v5  }
0x4d: {  	[tilespmem:s28+$0x8200] =	vst v6;
	v3 =	vld [tilespmem:s28+$0x10250]  }
0x4e: {  	s29 =	sshra.s32 s30, $0x2;
	s30 =	sadd.s32 $0x200, s30;
	[tilespmem:s28+$0x8210] =	vst v7;
	v4 =	vld [tilespmem:s28+$0x10260]  }
0x4f: {  	v5 =	vld [tilespmem:s29+$0x10270];
	[tilespmem:s28+$0x8220] =	vst v2  }
0x50: {  	v2 =	vld [tilespmem:s29+$0x10200];
	[tilespmem:s28+$0x8230] =	vst v0  }
0x51: {  	v0 =	vld [tilespmem:s29+$0x10210];
	[tilespmem:s28+$0x8240] =	vst v1  }
0x52: {  	v1 =	vld [tilespmem:s29+$0x10220];
	[tilespmem:s28+$0x8250] =	vst v3  }
0x53: {  	v3 =	vld [tilespmem:s29+$0x10230];
	[tilespmem:s28+$0x8260] =	vst v4  }
0x54: {  	v4 =	vld [tilespmem:s29+$0x10240];
	[tilespmem:s29+$0x8270] =	vst v5  }
0x55: {  	[tilespmem:s29+$0x8200] =	vst v2;
	v2 =	vld [tilespmem:s29+$0x10250]  }
0x56: {  	[tilespmem:s29+$0x8210] =	vst v0;
	v0 =	vld [tilespmem:s29+$0x10260]  }
0x57: {  	[tilespmem:s29+$0x8220] =	vst v1  }
0x58: {  	[tilespmem:s29+$0x8230] =	vst v3  }
0x59: {  	[tilespmem:s29+$0x8240] =	vst v4  }
0x5a: {  	[tilespmem:s29+$0x8250] =	vst v2  }
0x5b: {  	s28 =	simm.s32 $0x0;
	[tilespmem:s29+$0x8260] =	vst v0  }
0x5c: {  	[tilespmem:s16], [sflag:$0x6] =	stream.indirect.gather.add.f32 [hbm:s1], $0x80, s15, s12, $0xb8;
	[tilespmem:$0x14200] =	vst v63  }
0x5d: {  	v3 =	vld [tilespmem:s28+$0x10270]  }
0x5e: {  	v4 =	vld [tilespmem:s28+$0x10200]  }
0x5f: {  	v5 =	vld [tilespmem:s28+$0x10210]  }
0x60: {  	v2 =	vld [tilespmem:s28+$0x10220]  }
0x61: {  	v0 =	vld [tilespmem:s28+$0x10230]  }
0x62: {  	v1 =	vld [tilespmem:s28+$0x10240];
	[tilespmem:s28+$0xC270] =	vst v3  }
0x63: {  	[tilespmem:s28+$0xC200] =	vst v4;
	v3 =	vld [tilespmem:s28+$0x10250]  }
0x64: {  	s30 =	simm.s32 $0x400;
	s29 =	simm.s32 $0x80;
	[tilespmem:s28+$0xC210] =	vst v5;
	v4 =	vld [tilespmem:s28+$0x10260]  }
.LBB2_6:
0x65: {  	p0 =	sne.s32 s30, $0xFE00;
	v5 =	vld [tilespmem:s29+$0x10270];
	[tilespmem:s28+$0xC220] =	vst v2  }
0x66: {  	v6 =	vld [tilespmem:s29+$0x10200];
	[tilespmem:s28+$0xC230] =	vst v0  }
0x67: {  	v7 =	vld [tilespmem:s29+$0x10210];
	[tilespmem:s28+$0xC240] =	vst v1  }
.Ltmp2:
0x68: {  	v2 =	vld [tilespmem:s29+$0x10220];
	[tilespmem:s28+$0xC250] =	vst v3;
	(pc) =	sbr.rel @p0 .LBB2_6-.Ltmp2, $4  }
0x69: {  	v0 =	vld [tilespmem:s29+$0x10230];
	[tilespmem:s28+$0xC260] =	vst v4;
	s28 =	smov.u32 s29  }
0x6a: {  	v1 =	vld [tilespmem:s28+$0x10240];
	[tilespmem:s28+$0xC270] =	vst v5  }
0x6b: {  	[tilespmem:s28+$0xC200] =	vst v6;
	v3 =	vld [tilespmem:s28+$0x10250]  }
0x6c: {  	s29 =	sshra.s32 s30, $0x2;
	s30 =	sadd.s32 $0x200, s30;
	[tilespmem:s28+$0xC210] =	vst v7;
	v4 =	vld [tilespmem:s28+$0x10260]  }
0x6d: {  	v5 =	vld [tilespmem:s29+$0x10270];
	[tilespmem:s28+$0xC220] =	vst v2  }
0x6e: {  	v2 =	vld [tilespmem:s29+$0x10200];
	[tilespmem:s28+$0xC230] =	vst v0  }
0x6f: {  	v0 =	vld [tilespmem:s29+$0x10210];
	[tilespmem:s28+$0xC240] =	vst v1  }
0x70: {  	v1 =	vld [tilespmem:s29+$0x10220];
	[tilespmem:s28+$0xC250] =	vst v3  }
0x71: {  	v3 =	vld [tilespmem:s29+$0x10230];
	[tilespmem:s28+$0xC260] =	vst v4  }
0x72: {  	v4 =	vld [tilespmem:s29+$0x10240];
	[tilespmem:s29+$0xC270] =	vst v5  }
0x73: {  	v62 =	vld [tilespmem:s29+$0x10250];
	[tilespmem:s29+$0xC200] =	vst v2  }
0x74: {  	v63 =	vld [tilespmem:s29+$0x10260];
	[tilespmem:s29+$0xC210] =	vst v0  }
0x75: {  	[tilespmem:s29+$0xC220] =	vst v1  }
0x76: {  	[tilespmem:s29+$0xC230] =	vst v3  }
0x77: {  	[tilespmem:s29+$0xC240] =	vst v4  }
0x78: {  	[tilespmem:s29+$0xC250] =	vst v62  }
0x79: {  	[tilespmem:s29+$0xC260] =	vst v63  }
0x7a: {  	[tilespmem:s18], [sflag:$0x7] =	stream.indirect.gather.add.f32 [hbm:s1], $0x80, s17, s12, $0xb8;
	[tilespmem:$0x14200] =	vst v63  }
0x7b: {  	_ =	swait.ge [sflag:s19], $0x4000  }
0x7c: {  	[sflag:s19] =	ssyncset.done $0x0  }
0x7d: {  	[sflag:s19] =	ssyncadd.s32 $0xFFFFC000  }
0x7e: {  	_ =	swait.ge [sflag:s20], $0x4000  }
0x7f: {  	[sflag:s20] =	ssyncset.done $0x0  }
0x80: {  	[sflag:s20] =	ssyncadd.s32 $0xFFFFC000  }
0x81: {  	_ =	swait.ge [sflag:s21], $0x4000  }
0x82: {  	[sflag:s21] =	ssyncset.done $0x0  }
0x83: {  	[sflag:s21] =	ssyncadd.s32 $0xFFFFC000  }
0x84: {  	s26 =	sadd.s32 $0x1, s26;
	_ =	swait.ge [sflag:s22], $0x4000  }
0x85: {  	p0 =	sne.s32 s26, s7;
	[sflag:s22] =	ssyncset.done $0x0  }
.Ltmp3:
0x86: {  	[sflag:s22] =	ssyncadd.s32 $0xFFFFC000;
	(pc) =	sbr.rel @p0 .LBB2_1-.Ltmp3, $4  }
0x87: {  	[hbm4b:s6+s23] =	stream.strided.scatter [tilespmem:s8], [sflag:$0x8], $0x10000, s24, s23, $0x38;
	[tilespmem:$0x14200] =	vst v63  }
0x88: {  	_ =	swait.ge [sflag:s25], $0x10000  }
0x89: {  	[sflag:s25] =	ssyncset.done $0x0  }
0x8a: {  	[sflag:s25] =	ssyncadd.s32 $0xFFFF0000  }
0x8b: {  	_ =	sfence.sel $0x180000  }
0x8c: {  	[bflag:$0x0] =	sbarrier.arrive $0xFFFF  }
0x8d: {  	p0 =	sne.s32 s2, $0x0;
	_ =	strace $0x90000047  }
0x8e: {  	s0 =	sadd.s32 @!p0 $0x100000, s0;
	[bflag:$0x2] =	sbarrier.arrive $0xFFFF  }
0x8f: {  	[sflag:s0] =	ssyncadd.tile.s32 @!p0 $0x1;
	_ =	shalt  }
.Lfunc_end2:
_tile_overlayer_lowered:
.L_overlay_start_2:
0x90: {  	(tag) =	ssettag $0x2  }
0x91: {  	s0 =	rddreg [dreg:$0x0];
	s2 =	stileid.u32  }
0x92: {  	s1 =	rddreg [dreg:$0x1];
	p0 =	sne.s32 s2, $0x0  }
0x93: {  	s3 =	rddreg [dreg:$0x2];
	[bflag:$0x3] =	sbarrier.arrive $0xFFFF;
	s2 =	simm.s32 @!p0 $0x1C09  }
0x94: {  	[timem:s3], [sflag:s2] =	dma.local @!p0 [hbm:s0], s1  }
0x95: {  	s0 =	simm.s32 @!p0 $0x9  }
0x96: {  	_ =	swait.ge @!p0 [sflag:s0], s1  }
0x97: {  	s1 =	ssub.s32 @!p0 $0x0, s1;
	[sflag:s0] =	ssyncset.done @!p0 $0x0  }
0x98: {  	[sflag:s0] =	ssyncadd.s32 @!p0 s1  }
0x99: {  	[bflag:$0x3] =	sbarrier.arrive $0xFFFF  }
0x9a: {  	_ =	shalt  }

</sc_bundles>
